<compile_context>
chip_gen: v7x
topology: tpu7x:2x2x1
jax: 0.10.2.dev20260603
libtpu: 0.0.44.dev20260713+nightly
codegen_flags: <defaults>
</compile_context>

<pallas_src>
import functools

import jax
import jax.numpy as jnp
from jax import lax
from jax.experimental import pallas as pl
from jax.experimental.pallas import tpu as pltpu
from jax.experimental.pallas import tpu_sc as plsc

NUM_SEG = 512
D_FEAT = 128
N_ROWS = 100000
NUM_CORES = 2
NUM_TILES = 16
NUM_WORKERS = NUM_CORES * NUM_TILES
CHUNK = 125
CH_PAD = 128
NUM_CHUNKS = N_ROWS // CHUNK
CHUNKS_PER_W = NUM_CHUNKS // NUM_WORKERS
NUM_PAIRS = CHUNKS_PER_W // 2
LANES = 16

_mesh = plsc.VectorSubcoreMesh(core_axis_name="c", subcore_axis_name="s")


@functools.partial(
    pl.kernel,
    out_type=(
        jax.ShapeDtypeStruct((N_ROWS, D_FEAT), jnp.float32),
        jax.ShapeDtypeStruct((NUM_CORES * NUM_SEG, D_FEAT), jnp.float32),
        jax.ShapeDtypeStruct((NUM_WORKERS, NUM_SEG), jnp.float32),
    ),
    mesh=_mesh,
    compiler_params=pltpu.CompilerParams(use_tc_tiling_on_sc=False,
                                         needs_layout_passes=False),
    scratch_types=[
        pltpu.VMEM((CH_PAD, D_FEAT), jnp.float32),
        pltpu.VMEM((CH_PAD, D_FEAT), jnp.float32),
        pltpu.VMEM((CH_PAD, D_FEAT), jnp.float32),
        pltpu.VMEM((CH_PAD,), jnp.int32),
        pltpu.VMEM((CH_PAD,), jnp.int32),
        pltpu.VMEM((CH_PAD,), jnp.int32),
        pltpu.VMEM((NUM_SEG,), jnp.float32),
        pltpu.VMEM_SHARED((NUM_SEG, D_FEAT), jnp.float32),
        pltpu.SemaphoreType.DMA,
        pltpu.SemaphoreType.DMA,
        pltpu.SemaphoreType.DMA,
        pltpu.SemaphoreType.DMA,
        pltpu.SemaphoreType.DMA,
        pltpu.SemaphoreType.DMA,
        pltpu.SemaphoreType.DMA,
        pltpu.SemaphoreType.DMA,
        pltpu.SemaphoreType.DMA,
    ],
)
def _sc_segment_sum(x_hbm, b2_hbm, zf_hbm, xout_hbm, psums_hbm, pcnts_hbm,
                    rows_a, rows_b, rows_c, idx_a, idx_b, idx_c, cnts, acc,
                    lsem_a, lsem_b, lsem_c, ssem_a, ssem_b, ssem_c,
                    wsem_a, wsem_b, wsem_c):
    cid = lax.axis_index("c")
    sid = lax.axis_index("s")
    w = cid * NUM_TILES + sid
    rows_per_tile = NUM_SEG // NUM_TILES
    seg_base = sid * rows_per_tile

    pltpu.sync_copy(zf_hbm.at[pl.ds(0, CH_PAD - CHUNK)],
                    rows_a.at[pl.ds(CHUNK, CH_PAD - CHUNK)])
    pltpu.sync_copy(zf_hbm.at[pl.ds(0, CH_PAD - CHUNK)],
                    rows_b.at[pl.ds(CHUNK, CH_PAD - CHUNK)])
    pltpu.sync_copy(zf_hbm.at[pl.ds(0, CH_PAD - CHUNK)],
                    rows_c.at[pl.ds(CHUNK, CH_PAD - CHUNK)])
    pltpu.sync_copy(zf_hbm.at[pl.ds(seg_base, rows_per_tile)],
                    acc.at[pl.ds(seg_base, rows_per_tile)])
    zero16 = jnp.zeros((LANES,), jnp.float32)

    def zbody(r, carry):
        cnts[pl.ds(r * LANES, LANES)] = zero16
        return carry

    lax.fori_loop(0, NUM_SEG // LANES, zbody, 0)
    plsc.subcore_barrier()

    one16 = jnp.ones((LANES,), jnp.float32)
    tail_mask = lax.iota(jnp.int32, LANES) < (CHUNK % LANES)

    def load(c, buf, idx, sem):
        d0 = pltpu.async_copy(
            x_hbm.at[pl.ds((w * CHUNKS_PER_W + c) * CHUNK, CHUNK)],
            buf.at[pl.ds(0, CHUNK)], sem)
        d1 = pltpu.async_copy(b2_hbm.at[w * CHUNKS_PER_W + c], idx, sem)
        return d0, d1

    def wait(d):
        d[0].wait()
        d[1].wait()

    def scatter(buf, idx, sem):
        return pltpu.async_copy(buf, acc.at[idx], sem, add=True)

    def writeback(c, buf, sem):
        return pltpu.async_copy(
            buf.at[pl.ds(0, CHUNK)],
            xout_hbm.at[pl.ds((w * CHUNKS_PER_W + c) * CHUNK, CHUNK)], sem)

    def count(idx):
        for k in range(CHUNK // LANES):
            seg = idx[pl.ds(k * LANES, LANES)]
            plsc.addupdate_scatter(cnts, [seg], one16)
        seg = idx[pl.ds((CHUNK // LANES) * LANES, LANES)]
        plsc.addupdate_scatter(cnts, [seg], one16, mask=tail_mask)

    NUM_TRIPLES = 8
    wait(load(0, rows_a, idx_a, lsem_a))
    lb0 = load(1, rows_b, idx_b, lsem_b)

    def process(c, buf, idx, ssem, wsem):
        s = scatter(buf, idx, ssem)
        wb = writeback(c, buf, wsem)
        count(idx)
        return s, wb

    def triple(t, carry):
        c0 = 3 * t
        lc = load(c0 + 2, rows_c, idx_c, lsem_c)
        sa, wa = process(c0, rows_a, idx_a, ssem_a, wsem_a)
        wait((pltpu.make_async_copy(
            x_hbm.at[pl.ds(((w * CHUNKS_PER_W) + c0 + 1) * CHUNK, CHUNK)],
            rows_b.at[pl.ds(0, CHUNK)], lsem_b),
            pltpu.make_async_copy(
                b2_hbm.at[w * CHUNKS_PER_W + c0 + 1], idx_b, lsem_b)))
        sb, wb = process(c0 + 1, rows_b, idx_b, ssem_b, wsem_b)
        sa.wait()
        wa.wait()
        la = load(c0 + 3, rows_a, idx_a, lsem_a)
        wait(lc)
        sc, wc = process(c0 + 2, rows_c, idx_c, ssem_c, wsem_c)
        sb.wait()
        wb.wait()

        @pl.when(t < NUM_TRIPLES - 1)
        def _():
            d = load(c0 + 4, rows_b, idx_b, lsem_b)
            del d
        sc.wait()
        wc.wait()
        wait(la)
        return carry

    lax.fori_loop(0, NUM_TRIPLES, triple, 0)

    st, wt = process(CHUNKS_PER_W - 1, rows_a, idx_a, ssem_a, wsem_a)
    st.wait()
    wt.wait()
    plsc.subcore_barrier()

    out_base = cid * NUM_SEG + seg_base
    pltpu.sync_copy(acc.at[pl.ds(seg_base, rows_per_tile)],
                    psums_hbm.at[pl.ds(out_base, rows_per_tile)])
    pltpu.sync_copy(cnts, pcnts_hbm.at[w])


def _combine_body(ps_ref, pc_ref, o_ref):
    s = ps_ref[0] + ps_ref[1]
    c = jnp.sum(pc_ref[...], axis=0)
    scale = 1.0 / (jnp.maximum(c, 1.0) * jnp.sqrt(c + 1e-6))
    o_ref[...] = s * scale[:, None]


def kernel(x, batch):
    b2 = jnp.pad(batch.reshape(NUM_CHUNKS, CHUNK),
                 ((0, 0), (0, CH_PAD - CHUNK)))
    zf = jnp.zeros((NUM_SEG, D_FEAT), jnp.float32)
    x_out, psums, pcnts = _sc_segment_sum(x, b2, zf)
    protein_repr = pl.pallas_call(
        _combine_body,
        out_shape=jax.ShapeDtypeStruct((NUM_SEG, D_FEAT), jnp.float32),
    )(psums.reshape(NUM_CORES, NUM_SEG, D_FEAT), pcnts)
    return x_out, protein_repr

# --- scband reference (transcript-rebuilt; emitter-appended) ---
"""Pipeline reference for scband-mean-pooling-sug-27891517620938 (READ-ONLY COPY).

The authoritative reference and input builder live on the scoring server;
editing this copy changes nothing except your own understanding.
"""

import jax, jax.numpy as jnp
import numpy as np

NUM_GRAPHS = 512
N_NODES = 100000
D_FEAT = 128


def setup_inputs(seed: int = 0) -> dict:
    key = jax.random.key(seed)
    k1, k2 = jax.random.split(key)
    x = jax.random.normal(k1, (N_NODES, D_FEAT), dtype=jnp.float32)
    batch = jnp.sort(jax.random.randint(k2, (N_NODES,), 0, NUM_GRAPHS, dtype=jnp.int32))
    return {"x": x, "batch": batch}


def reference(x, batch):
    # original_sug modeled as identity: result['node_features'] = data.x
    node_features = x
    # torch.bincount(batch) -> per-graph node counts
    counts = jnp.bincount(batch, length=NUM_GRAPHS).astype(jnp.float32)
    # global_mean_pool: segment sum / count (empty segments -> 0, matching scatter-mean)
    sums = jax.ops.segment_sum(node_features, batch, num_segments=NUM_GRAPHS)
    mean = sums / jnp.maximum(counts, 1.0)[:, None]
    # protein_repr = mean / sqrt(count + 1e-6)
    protein_repr = mean / jnp.sqrt(counts[:, None] + 1e-6)
    return node_features, protein_repr

if __name__ == "__main__":
    import jax
    _d = setup_inputs()
    print(jax.jit(kernel)(*tuple(_d.values())))

</pallas_src>

<mosaic_0001>
#map = affine_map<(d0, d1) -> (0, 0)>
module attributes {stable_mosaic.version = 14 : i64} {
  func.func @_sc_segment_sum(%arg0: i32, %arg1: i32, %arg2: memref<100000x128xf32, #tpu.memory_space<hbm>>, %arg3: memref<800x128xi32, #tpu.memory_space<hbm>>, %arg4: memref<512x128xf32, #tpu.memory_space<hbm>>, %arg5: memref<100000x128xf32, #tpu.memory_space<hbm>>, %arg6: memref<1024x128xf32, #tpu.memory_space<hbm>>, %arg7: memref<32x512xf32, #tpu.memory_space<hbm>>, %arg8: memref<128x128xf32, #tpu.memory_space<vmem>>, %arg9: memref<128x128xf32, #tpu.memory_space<vmem>>, %arg10: memref<128x128xf32, #tpu.memory_space<vmem>>, %arg11: memref<128xi32, #tpu.memory_space<vmem>>, %arg12: memref<128xi32, #tpu.memory_space<vmem>>, %arg13: memref<128xi32, #tpu.memory_space<vmem>>, %arg14: memref<512xf32, #tpu.memory_space<vmem>>, %arg15: memref<512x128xf32, #tpu.memory_space<vmem_shared>>, %arg16: memref<!tpu.dma_semaphore, #tpu.memory_space<semaphore_mem>>, %arg17: memref<!tpu.dma_semaphore, #tpu.memory_space<semaphore_mem>>, %arg18: memref<!tpu.dma_semaphore, #tpu.memory_space<semaphore_mem>>, %arg19: memref<!tpu.dma_semaphore, #tpu.memory_space<semaphore_mem>>, %arg20: memref<!tpu.dma_semaphore, #tpu.memory_space<semaphore_mem>>, %arg21: memref<!tpu.dma_semaphore, #tpu.memory_space<semaphore_mem>>, %arg22: memref<!tpu.dma_semaphore, #tpu.memory_space<semaphore_mem>>, %arg23: memref<!tpu.dma_semaphore, #tpu.memory_space<semaphore_mem>>, %arg24: memref<!tpu.dma_semaphore, #tpu.memory_space<semaphore_mem>>) attributes {dimension_semantics = [#tpu.dimension_semantics<core_parallel>, #tpu.dimension_semantics<subcore_parallel>], iteration_bounds = array<i64: 2, 16>, scalar_prefetch = 0 : i64, scratch_operands = 17 : i64, tpu.core_type = #tpu.core_type<sc_vector_subcore>, window_params = [{transform_indices = #map}, {transform_indices = #map}, {transform_indices = #map}, {transform_indices = #map}, {transform_indices = #map}, {transform_indices = #map}]} {
    %mul3A = arith.constant 16 : i32
    %mul3A_0 = arith.muli %arg0, %mul3A : i32
    %add3A = arith.addi %mul3A_0, %arg1 : i32
    %mul3A_1 = arith.constant 32 : i32
    %mul3A_2 = arith.muli %arg1, %mul3A_1 : i32
    "tpu.region"() ({
      %run_scoped3A = tpu.sem_alloc : memref<!tpu.dma_semaphore, #tpu.memory_space<semaphore_mem>>
      %dma_start3A_136 = arith.constant 125 : i32
      %dma_start3A_137 = arith.constant 0 : i32
      %dma_start3A_138 = tpu.memref_slice %arg8[%dma_start3A_136, %dma_start3A_137] : memref<128x128xf32, #tpu.memory_space<vmem>> -> memref<3x128xf32, #tpu.memory_space<vmem>>
      %dma_start3A_139 = arith.constant 0 : i32
      %dma_start3A_140 = arith.constant 0 : i32
      %dma_start3A_141 = tpu.memref_slice %arg4[%dma_start3A_139, %dma_start3A_140] : memref<512x128xf32, #tpu.memory_space<hbm>> -> memref<3x128xf32, #tpu.memory_space<hbm>>
      %dma_start3A_142 = arith.constant 125 : i32
      %dma_start3A_143 = arith.constant 0 : i32
      %dma_start3A_144 = tpu.memref_slice %arg8[%dma_start3A_142, %dma_start3A_143] : memref<128x128xf32, #tpu.memory_space<vmem>> -> memref<3x128xf32, #tpu.memory_space<vmem>>
      %dma_start3A_145 = arith.constant 0 : i32
      %dma_start3A_146 = arith.constant 0 : i32
      %dma_start3A_147 = tpu.memref_slice %arg4[%dma_start3A_145, %dma_start3A_146] : memref<512x128xf32, #tpu.memory_space<hbm>> -> memref<3x128xf32, #tpu.memory_space<hbm>>
      tpu.enqueue_dma source(%dma_start3A_147 : memref<3x128xf32, #tpu.memory_space<hbm>>) target(%dma_start3A_144 : memref<3x128xf32, #tpu.memory_space<vmem>>) target_semaphore(%run_scoped3A : memref<!tpu.dma_semaphore, #tpu.memory_space<semaphore_mem>>)
      %dma_wait3A_148 = arith.constant 125 : i32
      %dma_wait3A_149 = arith.constant 0 : i32
      %dma_wait3A_150 = tpu.memref_slice %arg8[%dma_wait3A_148, %dma_wait3A_149] : memref<128x128xf32, #tpu.memory_space<vmem>> -> memref<3x128xf32, #tpu.memory_space<vmem>>
      %dma_wait3A_151 = arith.constant 0 : i32
      %dma_wait3A_152 = arith.constant 0 : i32
      %dma_wait3A_153 = tpu.memref_slice %arg4[%dma_wait3A_151, %dma_wait3A_152] : memref<512x128xf32, #tpu.memory_space<hbm>> -> memref<3x128xf32, #tpu.memory_space<hbm>>
      %dma_wait3A_154 = arith.constant 125 : i32
      %dma_wait3A_155 = arith.constant 0 : i32
      %dma_wait3A_156 = tpu.memref_slice %arg8[%dma_wait3A_154, %dma_wait3A_155] : memref<128x128xf32, #tpu.memory_space<vmem>> -> memref<3x128xf32, #tpu.memory_space<vmem>>
      %dma_wait3A_157 = arith.constant 0 : i32
      %dma_wait3A_158 = arith.constant 0 : i32
      %dma_wait3A_159 = tpu.memref_slice %arg4[%dma_wait3A_157, %dma_wait3A_158] : memref<512x128xf32, #tpu.memory_space<hbm>> -> memref<3x128xf32, #tpu.memory_space<hbm>>
      tpu.wait_dma2 semaphore(%run_scoped3A : memref<!tpu.dma_semaphore, #tpu.memory_space<semaphore_mem>>) src(%dma_wait3A_159 : memref<3x128xf32, #tpu.memory_space<hbm>>) dst(%dma_wait3A_156 : memref<3x128xf32, #tpu.memory_space<vmem>>)
      tpu.yield
    }) : () -> ()
    "tpu.region"() ({
      %run_scoped3A = tpu.sem_alloc : memref<!tpu.dma_semaphore, #tpu.memory_space<semaphore_mem>>
      %dma_start3A_136 = arith.constant 125 : i32
      %dma_start3A_137 = arith.constant 0 : i32
      %dma_start3A_138 = tpu.memref_slice %arg9[%dma_start3A_136, %dma_start3A_137] : memref<128x128xf32, #tpu.memory_space<vmem>> -> memref<3x128xf32, #tpu.memory_space<vmem>>
      %dma_start3A_139 = arith.constant 0 : i32
      %dma_start3A_140 = arith.constant 0 : i32
      %dma_start3A_141 = tpu.memref_slice %arg4[%dma_start3A_139, %dma_start3A_140] : memref<512x128xf32, #tpu.memory_space<hbm>> -> memref<3x128xf32, #tpu.memory_space<hbm>>
      %dma_start3A_142 = arith.constant 125 : i32
      %dma_start3A_143 = arith.constant 0 : i32
      %dma_start3A_144 = tpu.memref_slice %arg9[%dma_start3A_142, %dma_start3A_143] : memref<128x128xf32, #tpu.memory_space<vmem>> -> memref<3x128xf32, #tpu.memory_space<vmem>>
      %dma_start3A_145 = arith.constant 0 : i32
      %dma_start3A_146 = arith.constant 0 : i32
      %dma_start3A_147 = tpu.memref_slice %arg4[%dma_start3A_145, %dma_start3A_146] : memref<512x128xf32, #tpu.memory_space<hbm>> -> memref<3x128xf32, #tpu.memory_space<hbm>>
      tpu.enqueue_dma source(%dma_start3A_147 : memref<3x128xf32, #tpu.memory_space<hbm>>) target(%dma_start3A_144 : memref<3x128xf32, #tpu.memory_space<vmem>>) target_semaphore(%run_scoped3A : memref<!tpu.dma_semaphore, #tpu.memory_space<semaphore_mem>>)
      %dma_wait3A_148 = arith.constant 125 : i32
      %dma_wait3A_149 = arith.constant 0 : i32
      %dma_wait3A_150 = tpu.memref_slice %arg9[%dma_wait3A_148, %dma_wait3A_149] : memref<128x128xf32, #tpu.memory_space<vmem>> -> memref<3x128xf32, #tpu.memory_space<vmem>>
      %dma_wait3A_151 = arith.constant 0 : i32
      %dma_wait3A_152 = arith.constant 0 : i32
      %dma_wait3A_153 = tpu.memref_slice %arg4[%dma_wait3A_151, %dma_wait3A_152] : memref<512x128xf32, #tpu.memory_space<hbm>> -> memref<3x128xf32, #tpu.memory_space<hbm>>
      %dma_wait3A_154 = arith.constant 125 : i32
      %dma_wait3A_155 = arith.constant 0 : i32
      %dma_wait3A_156 = tpu.memref_slice %arg9[%dma_wait3A_154, %dma_wait3A_155] : memref<128x128xf32, #tpu.memory_space<vmem>> -> memref<3x128xf32, #tpu.memory_space<vmem>>
      %dma_wait3A_157 = arith.constant 0 : i32
      %dma_wait3A_158 = arith.constant 0 : i32
      %dma_wait3A_159 = tpu.memref_slice %arg4[%dma_wait3A_157, %dma_wait3A_158] : memref<512x128xf32, #tpu.memory_space<hbm>> -> memref<3x128xf32, #tpu.memory_space<hbm>>
      tpu.wait_dma2 semaphore(%run_scoped3A : memref<!tpu.dma_semaphore, #tpu.memory_space<semaphore_mem>>) src(%dma_wait3A_159 : memref<3x128xf32, #tpu.memory_space<hbm>>) dst(%dma_wait3A_156 : memref<3x128xf32, #tpu.memory_space<vmem>>)
      tpu.yield
    }) : () -> ()
    "tpu.region"() ({
      %run_scoped3A = tpu.sem_alloc : memref<!tpu.dma_semaphore, #tpu.memory_space<semaphore_mem>>
      %dma_start3A_136 = arith.constant 125 : i32
      %dma_start3A_137 = arith.constant 0 : i32
      %dma_start3A_138 = tpu.memref_slice %arg10[%dma_start3A_136, %dma_start3A_137] : memref<128x128xf32, #tpu.memory_space<vmem>> -> memref<3x128xf32, #tpu.memory_space<vmem>>
      %dma_start3A_139 = arith.constant 0 : i32
      %dma_start3A_140 = arith.constant 0 : i32
      %dma_start3A_141 = tpu.memref_slice %arg4[%dma_start3A_139, %dma_start3A_140] : memref<512x128xf32, #tpu.memory_space<hbm>> -> memref<3x128xf32, #tpu.memory_space<hbm>>
      %dma_start3A_142 = arith.constant 125 : i32
      %dma_start3A_143 = arith.constant 0 : i32
      %dma_start3A_144 = tpu.memref_slice %arg10[%dma_start3A_142, %dma_start3A_143] : memref<128x128xf32, #tpu.memory_space<vmem>> -> memref<3x128xf32, #tpu.memory_space<vmem>>
      %dma_start3A_145 = arith.constant 0 : i32
      %dma_start3A_146 = arith.constant 0 : i32
      %dma_start3A_147 = tpu.memref_slice %arg4[%dma_start3A_145, %dma_start3A_146] : memref<512x128xf32, #tpu.memory_space<hbm>> -> memref<3x128xf32, #tpu.memory_space<hbm>>
      tpu.enqueue_dma source(%dma_start3A_147 : memref<3x128xf32, #tpu.memory_space<hbm>>) target(%dma_start3A_144 : memref<3x128xf32, #tpu.memory_space<vmem>>) target_semaphore(%run_scoped3A : memref<!tpu.dma_semaphore, #tpu.memory_space<semaphore_mem>>)
      %dma_wait3A_148 = arith.constant 125 : i32
      %dma_wait3A_149 = arith.constant 0 : i32
      %dma_wait3A_150 = tpu.memref_slice %arg10[%dma_wait3A_148, %dma_wait3A_149] : memref<128x128xf32, #tpu.memory_space<vmem>> -> memref<3x128xf32, #tpu.memory_space<vmem>>
      %dma_wait3A_151 = arith.constant 0 : i32
      %dma_wait3A_152 = arith.constant 0 : i32
      %dma_wait3A_153 = tpu.memref_slice %arg4[%dma_wait3A_151, %dma_wait3A_152] : memref<512x128xf32, #tpu.memory_space<hbm>> -> memref<3x128xf32, #tpu.memory_space<hbm>>
      %dma_wait3A_154 = arith.constant 125 : i32
      %dma_wait3A_155 = arith.constant 0 : i32
      %dma_wait3A_156 = tpu.memref_slice %arg10[%dma_wait3A_154, %dma_wait3A_155] : memref<128x128xf32, #tpu.memory_space<vmem>> -> memref<3x128xf32, #tpu.memory_space<vmem>>
      %dma_wait3A_157 = arith.constant 0 : i32
      %dma_wait3A_158 = arith.constant 0 : i32
      %dma_wait3A_159 = tpu.memref_slice %arg4[%dma_wait3A_157, %dma_wait3A_158] : memref<512x128xf32, #tpu.memory_space<hbm>> -> memref<3x128xf32, #tpu.memory_space<hbm>>
      tpu.wait_dma2 semaphore(%run_scoped3A : memref<!tpu.dma_semaphore, #tpu.memory_space<semaphore_mem>>) src(%dma_wait3A_159 : memref<3x128xf32, #tpu.memory_space<hbm>>) dst(%dma_wait3A_156 : memref<3x128xf32, #tpu.memory_space<vmem>>)
      tpu.yield
    }) : () -> ()
    "tpu.region"() ({
      %run_scoped3A = tpu.sem_alloc : memref<!tpu.dma_semaphore, #tpu.memory_space<semaphore_mem>>
      %dma_start3A_136 = arith.constant 0 : i32
      %dma_start3A_137 = tpu.memref_slice %arg15[%mul3A_2, %dma_start3A_136] : memref<512x128xf32, #tpu.memory_space<vmem_shared>> -> memref<32x128xf32, #tpu.memory_space<vmem_shared>>
      %dma_start3A_138 = arith.constant 0 : i32
      %dma_start3A_139 = tpu.memref_slice %arg4[%mul3A_2, %dma_start3A_138] : memref<512x128xf32, #tpu.memory_space<hbm>> -> memref<32x128xf32, #tpu.memory_space<hbm>>
      tpu.enqueue_dma source(%dma_start3A_139 : memref<32x128xf32, #tpu.memory_space<hbm>>) target(%dma_start3A_137 : memref<32x128xf32, #tpu.memory_space<vmem_shared>>) target_semaphore(%run_scoped3A : memref<!tpu.dma_semaphore, #tpu.memory_space<semaphore_mem>>)
      %dma_wait3A_140 = arith.constant 0 : i32
      %dma_wait3A_141 = tpu.memref_slice %arg15[%mul3A_2, %dma_wait3A_140] : memref<512x128xf32, #tpu.memory_space<vmem_shared>> -> memref<32x128xf32, #tpu.memory_space<vmem_shared>>
      %dma_wait3A_142 = arith.constant 0 : i32
      %dma_wait3A_143 = tpu.memref_slice %arg4[%mul3A_2, %dma_wait3A_142] : memref<512x128xf32, #tpu.memory_space<hbm>> -> memref<32x128xf32, #tpu.memory_space<hbm>>
      tpu.wait_dma2 semaphore(%run_scoped3A : memref<!tpu.dma_semaphore, #tpu.memory_space<semaphore_mem>>) src(%dma_wait3A_143 : memref<32x128xf32, #tpu.memory_space<hbm>>) dst(%dma_wait3A_141 : memref<32x128xf32, #tpu.memory_space<vmem_shared>>)
      tpu.yield
    }) : () -> ()
    %broadcast_in_dim3A = arith.constant 0.000000e+00 : f32
    %broadcast_in_dim3A_3 = vector.broadcast %broadcast_in_dim3A : f32 to vector<16xf32>
    %scan3A = arith.constant 0 : i32
    %scan3A_4 = arith.constant 0 : i32
    %scan3A_5 = arith.constant 32 : i32
    %scan3A_6 = arith.addi %scan3A_4, %scan3A_5 : i32
    %scan3A_7 = arith.constant 1 : i32
    scf.for %scan3A_136 = %scan3A_4 to %scan3A_6 step %scan3A_7  : i32 {
      %mul3A_137 = arith.constant 16 : i32
      %mul3A_138 = arith.muli %scan3A_136, %mul3A_137 : i32
      %swap3A = arith.index_cast %mul3A_138 : i32 to index
      %swap3A_139 = tpu.vector_load %arg14[%swap3A] {strides = array<i32>} : memref<512xf32, #tpu.memory_space<vmem>>, vector<16xf32>,
      tpu.vector_store %arg14[%swap3A], %broadcast_in_dim3A_3 {strides = array<i32>} : memref<512xf32, #tpu.memory_space<vmem>>, vector<16xf32>,
    }
    %scan3A_8 = arith.constant 32 : i32
    %barrier3A = arith.constant 0 : index
    tpu.barrier barrier_id(%barrier3A)
    %broadcast_in_dim3A_9 = arith.constant 1.000000e+00 : f32
    %broadcast_in_dim3A_10 = vector.broadcast %broadcast_in_dim3A_9 : f32 to vector<16xf32>
    %iota3A = tpu.iota {dimensions = array<i32: 0>} : vector<16xi32>
    %lt3A = arith.constant 13 : i32
    %lt3A_11 = vector.broadcast %lt3A : i32 to vector<16xi32>
    %lt3A_12 = arith.cmpi slt, %iota3A, %lt3A_11 : vector<16xi32>
    %mul3A_13 = arith.constant 25 : i32
    %mul3A_14 = arith.muli %add3A, %mul3A_13 : i32
    %add3A_15 = arith.constant 0 : i32
    %add3A_16 = arith.addi %mul3A_14, %add3A_15 : i32
    %mul3A_17 = arith.constant 125 : i32
    %mul3A_18 = arith.muli %add3A_16, %mul3A_17 : i32
    %dma_start3A = arith.constant 0 : i32
    %dma_start3A_19 = arith.constant 0 : i32
    %dma_start3A_20 = tpu.memref_slice %arg8[%dma_start3A, %dma_start3A_19] : memref<128x128xf32, #tpu.memory_space<vmem>> -> memref<125x128xf32, #tpu.memory_space<vmem>>
    %dma_start3A_21 = arith.constant 0 : i32
    %dma_start3A_22 = tpu.memref_slice %arg2[%mul3A_18, %dma_start3A_21] : memref<100000x128xf32, #tpu.memory_space<hbm>> -> memref<125x128xf32, #tpu.memory_space<hbm>>
    %dma_start3A_23 = arith.constant 0 : i32
    %dma_start3A_24 = arith.constant 0 : i32
    %dma_start3A_25 = tpu.memref_slice %arg8[%dma_start3A_23, %dma_start3A_24] : memref<128x128xf32, #tpu.memory_space<vmem>> -> memref<125x128xf32, #tpu.memory_space<vmem>>
    %dma_start3A_26 = arith.constant 0 : i32
    %dma_start3A_27 = tpu.memref_slice %arg2[%mul3A_18, %dma_start3A_26] : memref<100000x128xf32, #tpu.memory_space<hbm>> -> memref<125x128xf32, #tpu.memory_space<hbm>>
    tpu.enqueue_dma source(%dma_start3A_27 : memref<125x128xf32, #tpu.memory_space<hbm>>) target(%dma_start3A_25 : memref<125x128xf32, #tpu.memory_space<vmem>>) target_semaphore(%arg16 : memref<!tpu.dma_semaphore, #tpu.memory_space<semaphore_mem>>)
    %mul3A_28 = arith.constant 25 : i32
    %mul3A_29 = arith.muli %add3A, %mul3A_28 : i32
    %add3A_30 = arith.constant 0 : i32
    %add3A_31 = arith.addi %mul3A_29, %add3A_30 : i32
    %dma_start3A_32 = arith.constant 0 : i32
    %dma_start3A_33 = tpu.memref_slice %arg3[%add3A_31, %dma_start3A_32] : memref<800x128xi32, #tpu.memory_space<hbm>> -> memref<1x128xi32, #tpu.memory_space<hbm>>
    %dma_start3A_34 = tpu.memref_squeeze %dma_start3A_33 : memref<1x128xi32, #tpu.memory_space<hbm>> -> memref<128xi32, #tpu.memory_space<hbm>>
    %dma_start3A_35 = arith.constant 0 : i32
    %dma_start3A_36 = tpu.memref_slice %arg3[%add3A_31, %dma_start3A_35] : memref<800x128xi32, #tpu.memory_space<hbm>> -> memref<1x128xi32, #tpu.memory_space<hbm>>
    %dma_start3A_37 = tpu.memref_squeeze %dma_start3A_36 : memref<1x128xi32, #tpu.memory_space<hbm>> -> memref<128xi32, #tpu.memory_space<hbm>>
    tpu.enqueue_dma source(%dma_start3A_37 : memref<128xi32, #tpu.memory_space<hbm>>) target(%arg11 : memref<128xi32, #tpu.memory_space<vmem>>) target_semaphore(%arg16 : memref<!tpu.dma_semaphore, #tpu.memory_space<semaphore_mem>>)
    %dma_wait3A = arith.constant 0 : i32
    %dma_wait3A_38 = arith.constant 0 : i32
    %dma_wait3A_39 = tpu.memref_slice %arg8[%dma_wait3A, %dma_wait3A_38] : memref<128x128xf32, #tpu.memory_space<vmem>> -> memref<125x128xf32, #tpu.memory_space<vmem>>
    %dma_wait3A_40 = arith.constant 0 : i32
    %dma_wait3A_41 = tpu.memref_slice %arg2[%mul3A_18, %dma_wait3A_40] : memref<100000x128xf32, #tpu.memory_space<hbm>> -> memref<125x128xf32, #tpu.memory_space<hbm>>
    %dma_wait3A_42 = arith.constant 0 : i32
    %dma_wait3A_43 = arith.constant 0 : i32
    %dma_wait3A_44 = tpu.memref_slice %arg8[%dma_wait3A_42, %dma_wait3A_43] : memref<128x128xf32, #tpu.memory_space<vmem>> -> memref<125x128xf32, #tpu.memory_space<vmem>>
    %dma_wait3A_45 = arith.constant 0 : i32
    %dma_wait3A_46 = tpu.memref_slice %arg2[%mul3A_18, %dma_wait3A_45] : memref<100000x128xf32, #tpu.memory_space<hbm>> -> memref<125x128xf32, #tpu.memory_space<hbm>>
    tpu.wait_dma2 semaphore(%arg16 : memref<!tpu.dma_semaphore, #tpu.memory_space<semaphore_mem>>) src(%dma_wait3A_46 : memref<125x128xf32, #tpu.memory_space<hbm>>) dst(%dma_wait3A_44 : memref<125x128xf32, #tpu.memory_space<vmem>>)
    %dma_wait3A_47 = arith.constant 0 : i32
    %dma_wait3A_48 = tpu.memref_slice %arg3[%add3A_31, %dma_wait3A_47] : memref<800x128xi32, #tpu.memory_space<hbm>> -> memref<1x128xi32, #tpu.memory_space<hbm>>
    %dma_wait3A_49 = tpu.memref_squeeze %dma_wait3A_48 : memref<1x128xi32, #tpu.memory_space<hbm>> -> memref<128xi32, #tpu.memory_space<hbm>>
    %dma_wait3A_50 = arith.constant 0 : i32
    %dma_wait3A_51 = tpu.memref_slice %arg3[%add3A_31, %dma_wait3A_50] : memref<800x128xi32, #tpu.memory_space<hbm>> -> memref<1x128xi32, #tpu.memory_space<hbm>>
    %dma_wait3A_52 = tpu.memref_squeeze %dma_wait3A_51 : memref<1x128xi32, #tpu.memory_space<hbm>> -> memref<128xi32, #tpu.memory_space<hbm>>
    tpu.wait_dma2 semaphore(%arg16 : memref<!tpu.dma_semaphore, #tpu.memory_space<semaphore_mem>>) src(%dma_wait3A_52 : memref<128xi32, #tpu.memory_space<hbm>>) dst(%arg11 : memref<128xi32, #tpu.memory_space<vmem>>)
    %mul3A_53 = arith.constant 25 : i32
    %mul3A_54 = arith.muli %add3A, %mul3A_53 : i32
    %add3A_55 = arith.constant 1 : i32
    %add3A_56 = arith.addi %mul3A_54, %add3A_55 : i32
    %mul3A_57 = arith.constant 125 : i32
    %mul3A_58 = arith.muli %add3A_56, %mul3A_57 : i32
    %dma_start3A_59 = arith.constant 0 : i32
    %dma_start3A_60 = arith.constant 0 : i32
    %dma_start3A_61 = tpu.memref_slice %arg9[%dma_start3A_59, %dma_start3A_60] : memref<128x128xf32, #tpu.memory_space<vmem>> -> memref<125x128xf32, #tpu.memory_space<vmem>>
    %dma_start3A_62 = arith.constant 0 : i32
    %dma_start3A_63 = tpu.memref_slice %arg2[%mul3A_58, %dma_start3A_62] : memref<100000x128xf32, #tpu.memory_space<hbm>> -> memref<125x128xf32, #tpu.memory_space<hbm>>
    %dma_start3A_64 = arith.constant 0 : i32
    %dma_start3A_65 = arith.constant 0 : i32
    %dma_start3A_66 = tpu.memref_slice %arg9[%dma_start3A_64, %dma_start3A_65] : memref<128x128xf32, #tpu.memory_space<vmem>> -> memref<125x128xf32, #tpu.memory_space<vmem>>
    %dma_start3A_67 = arith.constant 0 : i32
    %dma_start3A_68 = tpu.memref_slice %arg2[%mul3A_58, %dma_start3A_67] : memref<100000x128xf32, #tpu.memory_space<hbm>> -> memref<125x128xf32, #tpu.memory_space<hbm>>
    tpu.enqueue_dma source(%dma_start3A_68 : memref<125x128xf32, #tpu.memory_space<hbm>>) target(%dma_start3A_66 : memref<125x128xf32, #tpu.memory_space<vmem>>) target_semaphore(%arg17 : memref<!tpu.dma_semaphore, #tpu.memory_space<semaphore_mem>>)
    %mul3A_69 = arith.constant 25 : i32
    %mul3A_70 = arith.muli %add3A, %mul3A_69 : i32
    %add3A_71 = arith.constant 1 : i32
    %add3A_72 = arith.addi %mul3A_70, %add3A_71 : i32
    %dma_start3A_73 = arith.constant 0 : i32
    %dma_start3A_74 = tpu.memref_slice %arg3[%add3A_72, %dma_start3A_73] : memref<800x128xi32, #tpu.memory_space<hbm>> -> memref<1x128xi32, #tpu.memory_space<hbm>>
    %dma_start3A_75 = tpu.memref_squeeze %dma_start3A_74 : memref<1x128xi32, #tpu.memory_space<hbm>> -> memref<128xi32, #tpu.memory_space<hbm>>
    %dma_start3A_76 = arith.constant 0 : i32
    %dma_start3A_77 = tpu.memref_slice %arg3[%add3A_72, %dma_start3A_76] : memref<800x128xi32, #tpu.memory_space<hbm>> -> memref<1x128xi32, #tpu.memory_space<hbm>>
    %dma_start3A_78 = tpu.memref_squeeze %dma_start3A_77 : memref<1x128xi32, #tpu.memory_space<hbm>> -> memref<128xi32, #tpu.memory_space<hbm>>
    tpu.enqueue_dma source(%dma_start3A_78 : memref<128xi32, #tpu.memory_space<hbm>>) target(%arg12 : memref<128xi32, #tpu.memory_space<vmem>>) target_semaphore(%arg17 : memref<!tpu.dma_semaphore, #tpu.memory_space<semaphore_mem>>)
    %scan3A_79 = arith.constant 0 : i32
    %scan3A_80 = arith.constant 0 : i32
    %scan3A_81 = arith.constant 8 : i32
    %scan3A_82 = arith.addi %scan3A_80, %scan3A_81 : i32
    %scan3A_83 = arith.constant 1 : i32
    scf.for %scan3A_136 = %scan3A_80 to %scan3A_82 step %scan3A_83  : i32 {
      %mul3A_137 = arith.constant 3 : i32
      %mul3A_138 = arith.muli %mul3A_137, %scan3A_136 : i32
      %add3A_139 = arith.constant 2 : i32
      %add3A_140 = arith.addi %mul3A_138, %add3A_139 : i32
      %mul3A_141 = arith.constant 25 : i32
      %mul3A_142 = arith.muli %add3A, %mul3A_141 : i32
      %add3A_143 = arith.addi %mul3A_142, %add3A_140 : i32
      %mul3A_144 = arith.constant 125 : i32
      %mul3A_145 = arith.muli %add3A_143, %mul3A_144 : i32
      %dma_start3A_146 = arith.constant 0 : i32
      %dma_start3A_147 = arith.constant 0 : i32
      %dma_start3A_148 = tpu.memref_slice %arg10[%dma_start3A_146, %dma_start3A_147] : memref<128x128xf32, #tpu.memory_space<vmem>> -> memref<125x128xf32, #tpu.memory_space<vmem>>
      %dma_start3A_149 = arith.constant 0 : i32
      %dma_start3A_150 = tpu.memref_slice %arg2[%mul3A_145, %dma_start3A_149] : memref<100000x128xf32, #tpu.memory_space<hbm>> -> memref<125x128xf32, #tpu.memory_space<hbm>>
      %dma_start3A_151 = arith.constant 0 : i32
      %dma_start3A_152 = arith.constant 0 : i32
      %dma_start3A_153 = tpu.memref_slice %arg10[%dma_start3A_151, %dma_start3A_152] : memref<128x128xf32, #tpu.memory_space<vmem>> -> memref<125x128xf32, #tpu.memory_space<vmem>>
      %dma_start3A_154 = arith.constant 0 : i32
      %dma_start3A_155 = tpu.memref_slice %arg2[%mul3A_145, %dma_start3A_154] : memref<100000x128xf32, #tpu.memory_space<hbm>> -> memref<125x128xf32, #tpu.memory_space<hbm>>
      tpu.enqueue_dma source(%dma_start3A_155 : memref<125x128xf32, #tpu.memory_space<hbm>>) target(%dma_start3A_153 : memref<125x128xf32, #tpu.memory_space<vmem>>) target_semaphore(%arg18 : memref<!tpu.dma_semaphore, #tpu.memory_space<semaphore_mem>>)
      %mul3A_156 = arith.constant 25 : i32
      %mul3A_157 = arith.muli %add3A, %mul3A_156 : i32
      %add3A_158 = arith.addi %mul3A_157, %add3A_140 : i32
      %dma_start3A_159 = arith.constant 0 : i32
      %dma_start3A_160 = tpu.memref_slice %arg3[%add3A_158, %dma_start3A_159] : memref<800x128xi32, #tpu.memory_space<hbm>> -> memref<1x128xi32, #tpu.memory_space<hbm>>
      %dma_start3A_161 = tpu.memref_squeeze %dma_start3A_160 : memref<1x128xi32, #tpu.memory_space<hbm>> -> memref<128xi32, #tpu.memory_space<hbm>>
      %dma_start3A_162 = arith.constant 0 : i32
      %dma_start3A_163 = tpu.memref_slice %arg3[%add3A_158, %dma_start3A_162] : memref<800x128xi32, #tpu.memory_space<hbm>> -> memref<1x128xi32, #tpu.memory_space<hbm>>
      %dma_start3A_164 = tpu.memref_squeeze %dma_start3A_163 : memref<1x128xi32, #tpu.memory_space<hbm>> -> memref<128xi32, #tpu.memory_space<hbm>>
      tpu.enqueue_dma source(%dma_start3A_164 : memref<128xi32, #tpu.memory_space<hbm>>) target(%arg13 : memref<128xi32, #tpu.memory_space<vmem>>) target_semaphore(%arg18 : memref<!tpu.dma_semaphore, #tpu.memory_space<semaphore_mem>>)
      %dma_start3A_165 = arith.constant 0 : i32
      %dma_start3A_166 = arith.constant 0 : i32
      %dma_start3A_167 = tpu.memref_slice %arg15[%dma_start3A_165, %dma_start3A_166] : memref<512x128xf32, #tpu.memory_space<vmem_shared>> -> memref<512x128xf32, #tpu.memory_space<vmem_shared>>
      tpu.enqueue_indirect_dma source(%arg8 : memref<128x128xf32, #tpu.memory_space<vmem>>) target(%dma_start3A_167 : memref<512x128xf32, #tpu.memory_space<vmem_shared>>) offsets(%arg11 : memref<128xi32, #tpu.memory_space<vmem>>) semaphore(%arg19 : memref<!tpu.dma_semaphore, #tpu.memory_space<semaphore_mem>>) {add = true}
      %mul3A_168 = arith.constant 25 : i32
      %mul3A_169 = arith.muli %add3A, %mul3A_168 : i32
      %add3A_170 = arith.addi %mul3A_169, %mul3A_138 : i32
      %mul3A_171 = arith.constant 125 : i32
      %mul3A_172 = arith.muli %add3A_170, %mul3A_171 : i32
      %dma_start3A_173 = arith.constant 0 : i32
      %dma_start3A_174 = arith.constant 0 : i32
      %dma_start3A_175 = tpu.memref_slice %arg8[%dma_start3A_173, %dma_start3A_174] : memref<128x128xf32, #tpu.memory_space<vmem>> -> memref<125x128xf32, #tpu.memory_space<vmem>>
      %dma_start3A_176 = arith.constant 0 : i32
      %dma_start3A_177 = tpu.memref_slice %arg5[%mul3A_172, %dma_start3A_176] : memref<100000x128xf32, #tpu.memory_space<hbm>> -> memref<125x128xf32, #tpu.memory_space<hbm>>
      %dma_start3A_178 = arith.constant 0 : i32
      %dma_start3A_179 = tpu.memref_slice %arg5[%mul3A_172, %dma_start3A_178] : memref<100000x128xf32, #tpu.memory_space<hbm>> -> memref<125x128xf32, #tpu.memory_space<hbm>>
      %dma_start3A_180 = arith.constant 0 : i32
      %dma_start3A_181 = arith.constant 0 : i32
      %dma_start3A_182 = tpu.memref_slice %arg8[%dma_start3A_180, %dma_start3A_181] : memref<128x128xf32, #tpu.memory_space<vmem>> -> memref<125x128xf32, #tpu.memory_space<vmem>>
      tpu.enqueue_dma source(%dma_start3A_182 : memref<125x128xf32, #tpu.memory_space<vmem>>) target(%dma_start3A_179 : memref<125x128xf32, #tpu.memory_space<hbm>>) target_semaphore(%arg22 : memref<!tpu.dma_semaphore, #tpu.memory_space<semaphore_mem>>)
      %get3A_183 = arith.constant 0 : index
      %get3A_184 = tpu.vector_load %arg11[%get3A_183] {strides = array<i32>} : memref<128xi32, #tpu.memory_space<vmem>>, vector<16xi32>,
      tpu.vector_store_idx %arg14[%get3A_184], %broadcast_in_dim3A_10 {add = true} : memref<512xf32, #tpu.memory_space<vmem>>[vector<16xi32>], vector<16xf32>,
      %get3A_185 = arith.constant 16 : index
      %get3A_186 = tpu.vector_load %arg11[%get3A_185] {strides = array<i32>} : memref<128xi32, #tpu.memory_space<vmem>>, vector<16xi32>,
      tpu.vector_store_idx %arg14[%get3A_186], %broadcast_in_dim3A_10 {add = true} : memref<512xf32, #tpu.memory_space<vmem>>[vector<16xi32>], vector<16xf32>,
      %get3A_187 = arith.constant 32 : index
      %get3A_188 = tpu.vector_load %arg11[%get3A_187] {strides = array<i32>} : memref<128xi32, #tpu.memory_space<vmem>>, vector<16xi32>,
      tpu.vector_store_idx %arg14[%get3A_188], %broadcast_in_dim3A_10 {add = true} : memref<512xf32, #tpu.memory_space<vmem>>[vector<16xi32>], vector<16xf32>,
      %get3A_189 = arith.constant 48 : index
      %get3A_190 = tpu.vector_load %arg11[%get3A_189] {strides = array<i32>} : memref<128xi32, #tpu.memory_space<vmem>>, vector<16xi32>,
      tpu.vector_store_idx %arg14[%get3A_190], %broadcast_in_dim3A_10 {add = true} : memref<512xf32, #tpu.memory_space<vmem>>[vector<16xi32>], vector<16xf32>,
      %get3A_191 = arith.constant 64 : index
      %get3A_192 = tpu.vector_load %arg11[%get3A_191] {strides = array<i32>} : memref<128xi32, #tpu.memory_space<vmem>>, vector<16xi32>,
      tpu.vector_store_idx %arg14[%get3A_192], %broadcast_in_dim3A_10 {add = true} : memref<512xf32, #tpu.memory_space<vmem>>[vector<16xi32>], vector<16xf32>,
      %get3A_193 = arith.constant 80 : index
      %get3A_194 = tpu.vector_load %arg11[%get3A_193] {strides = array<i32>} : memref<128xi32, #tpu.memory_space<vmem>>, vector<16xi32>,
      tpu.vector_store_idx %arg14[%get3A_194], %broadcast_in_dim3A_10 {add = true} : memref<512xf32, #tpu.memory_space<vmem>>[vector<16xi32>], vector<16xf32>,
      %get3A_195 = arith.constant 96 : index
      %get3A_196 = tpu.vector_load %arg11[%get3A_195] {strides = array<i32>} : memref<128xi32, #tpu.memory_space<vmem>>, vector<16xi32>,
      tpu.vector_store_idx %arg14[%get3A_196], %broadcast_in_dim3A_10 {add = true} : memref<512xf32, #tpu.memory_space<vmem>>[vector<16xi32>], vector<16xf32>,
      %get3A_197 = arith.constant 112 : index
      %get3A_198 = tpu.vector_load %arg11[%get3A_197] {strides = array<i32>} : memref<128xi32, #tpu.memory_space<vmem>>, vector<16xi32>,
      tpu.vector_store_idx %arg14[%get3A_198], %broadcast_in_dim3A_10 masked %lt3A_12 {add = true} : memref<512xf32, #tpu.memory_space<vmem>>[vector<16xi32>], vector<16xf32>, vector<16xi1>
      %mul3A_199 = arith.constant 25 : i32
      %mul3A_200 = arith.muli %add3A, %mul3A_199 : i32
      %add3A_201 = arith.addi %mul3A_200, %mul3A_138 : i32
      %add3A_202 = arith.constant 1 : i32
      %add3A_203 = arith.addi %add3A_201, %add3A_202 : i32
      %mul3A_204 = arith.constant 125 : i32
      %mul3A_205 = arith.muli %add3A_203, %mul3A_204 : i32
      %mul3A_206 = arith.constant 25 : i32
      %mul3A_207 = arith.muli %add3A, %mul3A_206 : i32
      %add3A_208 = arith.addi %mul3A_207, %mul3A_138 : i32
      %add3A_209 = arith.constant 1 : i32
      %add3A_210 = arith.addi %add3A_208, %add3A_209 : i32
      %dma_wait3A_211 = arith.constant 0 : i32
      %dma_wait3A_212 = arith.constant 0 : i32
      %dma_wait3A_213 = tpu.memref_slice %arg9[%dma_wait3A_211, %dma_wait3A_212] : memref<128x128xf32, #tpu.memory_space<vmem>> -> memref<125x128xf32, #tpu.memory_space<vmem>>
      %dma_wait3A_214 = arith.constant 0 : i32
      %dma_wait3A_215 = tpu.memref_slice %arg2[%mul3A_205, %dma_wait3A_214] : memref<100000x128xf32, #tpu.memory_space<hbm>> -> memref<125x128xf32, #tpu.memory_space<hbm>>
      %dma_wait3A_216 = arith.constant 0 : i32
      %dma_wait3A_217 = arith.constant 0 : i32
      %dma_wait3A_218 = tpu.memref_slice %arg9[%dma_wait3A_216, %dma_wait3A_217] : memref<128x128xf32, #tpu.memory_space<vmem>> -> memref<125x128xf32, #tpu.memory_space<vmem>>
      %dma_wait3A_219 = arith.constant 0 : i32
      %dma_wait3A_220 = tpu.memref_slice %arg2[%mul3A_205, %dma_wait3A_219] : memref<100000x128xf32, #tpu.memory_space<hbm>> -> memref<125x128xf32, #tpu.memory_space<hbm>>
      tpu.wait_dma2 semaphore(%arg17 : memref<!tpu.dma_semaphore, #tpu.memory_space<semaphore_mem>>) src(%dma_wait3A_220 : memref<125x128xf32, #tpu.memory_space<hbm>>) dst(%dma_wait3A_218 : memref<125x128xf32, #tpu.memory_space<vmem>>)
      %dma_wait3A_221 = arith.constant 0 : i32
      %dma_wait3A_222 = tpu.memref_slice %arg3[%add3A_210, %dma_wait3A_221] : memref<800x128xi32, #tpu.memory_space<hbm>> -> memref<1x128xi32, #tpu.memory_space<hbm>>
      %dma_wait3A_223 = tpu.memref_squeeze %dma_wait3A_222 : memref<1x128xi32, #tpu.memory_space<hbm>> -> memref<128xi32, #tpu.memory_space<hbm>>
      %dma_wait3A_224 = arith.constant 0 : i32
      %dma_wait3A_225 = tpu.memref_slice %arg3[%add3A_210, %dma_wait3A_224] : memref<800x128xi32, #tpu.memory_space<hbm>> -> memref<1x128xi32, #tpu.memory_space<hbm>>
      %dma_wait3A_226 = tpu.memref_squeeze %dma_wait3A_225 : memref<1x128xi32, #tpu.memory_space<hbm>> -> memref<128xi32, #tpu.memory_space<hbm>>
      tpu.wait_dma2 semaphore(%arg17 : memref<!tpu.dma_semaphore, #tpu.memory_space<semaphore_mem>>) src(%dma_wait3A_226 : memref<128xi32, #tpu.memory_space<hbm>>) dst(%arg12 : memref<128xi32, #tpu.memory_space<vmem>>)
      %add3A_227 = arith.constant 1 : i32
      %add3A_228 = arith.addi %mul3A_138, %add3A_227 : i32
      %dma_start3A_229 = arith.constant 0 : i32
      %dma_start3A_230 = arith.constant 0 : i32
      %dma_start3A_231 = tpu.memref_slice %arg15[%dma_start3A_229, %dma_start3A_230] : memref<512x128xf32, #tpu.memory_space<vmem_shared>> -> memref<512x128xf32, #tpu.memory_space<vmem_shared>>
      tpu.enqueue_indirect_dma source(%arg9 : memref<128x128xf32, #tpu.memory_space<vmem>>) target(%dma_start3A_231 : memref<512x128xf32, #tpu.memory_space<vmem_shared>>) offsets(%arg12 : memref<128xi32, #tpu.memory_space<vmem>>) semaphore(%arg20 : memref<!tpu.dma_semaphore, #tpu.memory_space<semaphore_mem>>) {add = true}
      %mul3A_232 = arith.constant 25 : i32
      %mul3A_233 = arith.muli %add3A, %mul3A_232 : i32
      %add3A_234 = arith.addi %mul3A_233, %add3A_228 : i32
      %mul3A_235 = arith.constant 125 : i32
      %mul3A_236 = arith.muli %add3A_234, %mul3A_235 : i32
      %dma_start3A_237 = arith.constant 0 : i32
      %dma_start3A_238 = arith.constant 0 : i32
      %dma_start3A_239 = tpu.memref_slice %arg9[%dma_start3A_237, %dma_start3A_238] : memref<128x128xf32, #tpu.memory_space<vmem>> -> memref<125x128xf32, #tpu.memory_space<vmem>>
      %dma_start3A_240 = arith.constant 0 : i32
      %dma_start3A_241 = tpu.memref_slice %arg5[%mul3A_236, %dma_start3A_240] : memref<100000x128xf32, #tpu.memory_space<hbm>> -> memref<125x128xf32, #tpu.memory_space<hbm>>
      %dma_start3A_242 = arith.constant 0 : i32
      %dma_start3A_243 = tpu.memref_slice %arg5[%mul3A_236, %dma_start3A_242] : memref<100000x128xf32, #tpu.memory_space<hbm>> -> memref<125x128xf32, #tpu.memory_space<hbm>>
      %dma_start3A_244 = arith.constant 0 : i32
      %dma_start3A_245 = arith.constant 0 : i32
      %dma_start3A_246 = tpu.memref_slice %arg9[%dma_start3A_244, %dma_start3A_245] : memref<128x128xf32, #tpu.memory_space<vmem>> -> memref<125x128xf32, #tpu.memory_space<vmem>>
      tpu.enqueue_dma source(%dma_start3A_246 : memref<125x128xf32, #tpu.memory_space<vmem>>) target(%dma_start3A_243 : memref<125x128xf32, #tpu.memory_space<hbm>>) target_semaphore(%arg23 : memref<!tpu.dma_semaphore, #tpu.memory_space<semaphore_mem>>)
      %get3A_247 = arith.constant 0 : index
      %get3A_248 = tpu.vector_load %arg12[%get3A_247] {strides = array<i32>} : memref<128xi32, #tpu.memory_space<vmem>>, vector<16xi32>,
      tpu.vector_store_idx %arg14[%get3A_248], %broadcast_in_dim3A_10 {add = true} : memref<512xf32, #tpu.memory_space<vmem>>[vector<16xi32>], vector<16xf32>,
      %get3A_249 = arith.constant 16 : index
      %get3A_250 = tpu.vector_load %arg12[%get3A_249] {strides = array<i32>} : memref<128xi32, #tpu.memory_space<vmem>>, vector<16xi32>,
      tpu.vector_store_idx %arg14[%get3A_250], %broadcast_in_dim3A_10 {add = true} : memref<512xf32, #tpu.memory_space<vmem>>[vector<16xi32>], vector<16xf32>,
      %get3A_251 = arith.constant 32 : index
      %get3A_252 = tpu.vector_load %arg12[%get3A_251] {strides = array<i32>} : memref<128xi32, #tpu.memory_space<vmem>>, vector<16xi32>,
      tpu.vector_store_idx %arg14[%get3A_252], %broadcast_in_dim3A_10 {add = true} : memref<512xf32, #tpu.memory_space<vmem>>[vector<16xi32>], vector<16xf32>,
      %get3A_253 = arith.constant 48 : index
      %get3A_254 = tpu.vector_load %arg12[%get3A_253] {strides = array<i32>} : memref<128xi32, #tpu.memory_space<vmem>>, vector<16xi32>,
      tpu.vector_store_idx %arg14[%get3A_254], %broadcast_in_dim3A_10 {add = true} : memref<512xf32, #tpu.memory_space<vmem>>[vector<16xi32>], vector<16xf32>,
      %get3A_255 = arith.constant 64 : index
      %get3A_256 = tpu.vector_load %arg12[%get3A_255] {strides = array<i32>} : memref<128xi32, #tpu.memory_space<vmem>>, vector<16xi32>,
      tpu.vector_store_idx %arg14[%get3A_256], %broadcast_in_dim3A_10 {add = true} : memref<512xf32, #tpu.memory_space<vmem>>[vector<16xi32>], vector<16xf32>,
      %get3A_257 = arith.constant 80 : index
      %get3A_258 = tpu.vector_load %arg12[%get3A_257] {strides = array<i32>} : memref<128xi32, #tpu.memory_space<vmem>>, vector<16xi32>,
      tpu.vector_store_idx %arg14[%get3A_258], %broadcast_in_dim3A_10 {add = true} : memref<512xf32, #tpu.memory_space<vmem>>[vector<16xi32>], vector<16xf32>,
      %get3A_259 = arith.constant 96 : index
      %get3A_260 = tpu.vector_load %arg12[%get3A_259] {strides = array<i32>} : memref<128xi32, #tpu.memory_space<vmem>>, vector<16xi32>,
      tpu.vector_store_idx %arg14[%get3A_260], %broadcast_in_dim3A_10 {add = true} : memref<512xf32, #tpu.memory_space<vmem>>[vector<16xi32>], vector<16xf32>,
      %get3A_261 = arith.constant 112 : index
      %get3A_262 = tpu.vector_load %arg12[%get3A_261] {strides = array<i32>} : memref<128xi32, #tpu.memory_space<vmem>>, vector<16xi32>,
      tpu.vector_store_idx %arg14[%get3A_262], %broadcast_in_dim3A_10 masked %lt3A_12 {add = true} : memref<512xf32, #tpu.memory_space<vmem>>[vector<16xi32>], vector<16xf32>, vector<16xi1>
      %dma_wait3A_263 = arith.constant 0 : i32
      %dma_wait3A_264 = arith.constant 0 : i32
      %dma_wait3A_265 = tpu.memref_slice %arg15[%dma_wait3A_263, %dma_wait3A_264] : memref<512x128xf32, #tpu.memory_space<vmem_shared>> -> memref<512x128xf32, #tpu.memory_space<vmem_shared>>
      tpu.wait_indirect_dma semaphore(%arg19 : memref<!tpu.dma_semaphore, #tpu.memory_space<semaphore_mem>>) src(%arg8 : memref<128x128xf32, #tpu.memory_space<vmem>>) dst(%dma_wait3A_265 : memref<512x128xf32, #tpu.memory_space<vmem_shared>>)
      %dma_wait3A_266 = arith.constant 0 : i32
      %dma_wait3A_267 = arith.constant 0 : i32
      %dma_wait3A_268 = tpu.memref_slice %arg8[%dma_wait3A_266, %dma_wait3A_267] : memref<128x128xf32, #tpu.memory_space<vmem>> -> memref<125x128xf32, #tpu.memory_space<vmem>>
      %dma_wait3A_269 = arith.constant 0 : i32
      %dma_wait3A_270 = tpu.memref_slice %arg5[%mul3A_172, %dma_wait3A_269] : memref<100000x128xf32, #tpu.memory_space<hbm>> -> memref<125x128xf32, #tpu.memory_space<hbm>>
      %dma_wait3A_271 = arith.constant 0 : i32
      %dma_wait3A_272 = tpu.memref_slice %arg5[%mul3A_172, %dma_wait3A_271] : memref<100000x128xf32, #tpu.memory_space<hbm>> -> memref<125x128xf32, #tpu.memory_space<hbm>>
      %dma_wait3A_273 = arith.constant 0 : i32
      %dma_wait3A_274 = arith.constant 0 : i32
      %dma_wait3A_275 = tpu.memref_slice %arg8[%dma_wait3A_273, %dma_wait3A_274] : memref<128x128xf32, #tpu.memory_space<vmem>> -> memref<125x128xf32, #tpu.memory_space<vmem>>
      tpu.wait_dma2 semaphore(%arg22 : memref<!tpu.dma_semaphore, #tpu.memory_space<semaphore_mem>>) src(%dma_wait3A_275 : memref<125x128xf32, #tpu.memory_space<vmem>>) dst(%dma_wait3A_272 : memref<125x128xf32, #tpu.memory_space<hbm>>)
      %add3A_276 = arith.constant 3 : i32
      %add3A_277 = arith.addi %mul3A_138, %add3A_276 : i32
      %mul3A_278 = arith.constant 25 : i32
      %mul3A_279 = arith.muli %add3A, %mul3A_278 : i32
      %add3A_280 = arith.addi %mul3A_279, %add3A_277 : i32
      %mul3A_281 = arith.constant 125 : i32
      %mul3A_282 = arith.muli %add3A_280, %mul3A_281 : i32
      %dma_start3A_283 = arith.constant 0 : i32
      %dma_start3A_284 = arith.constant 0 : i32
      %dma_start3A_285 = tpu.memref_slice %arg8[%dma_start3A_283, %dma_start3A_284] : memref<128x128xf32, #tpu.memory_space<vmem>> -> memref<125x128xf32, #tpu.memory_space<vmem>>
      %dma_start3A_286 = arith.constant 0 : i32
      %dma_start3A_287 = tpu.memref_slice %arg2[%mul3A_282, %dma_start3A_286] : memref<100000x128xf32, #tpu.memory_space<hbm>> -> memref<125x128xf32, #tpu.memory_space<hbm>>
      %dma_start3A_288 = arith.constant 0 : i32
      %dma_start3A_289 = arith.constant 0 : i32
      %dma_start3A_290 = tpu.memref_slice %arg8[%dma_start3A_288, %dma_start3A_289] : memref<128x128xf32, #tpu.memory_space<vmem>> -> memref<125x128xf32, #tpu.memory_space<vmem>>
      %dma_start3A_291 = arith.constant 0 : i32
      %dma_start3A_292 = tpu.memref_slice %arg2[%mul3A_282, %dma_start3A_291] : memref<100000x128xf32, #tpu.memory_space<hbm>> -> memref<125x128xf32, #tpu.memory_space<hbm>>
      tpu.enqueue_dma source(%dma_start3A_292 : memref<125x128xf32, #tpu.memory_space<hbm>>) target(%dma_start3A_290 : memref<125x128xf32, #tpu.memory_space<vmem>>) target_semaphore(%arg16 : memref<!tpu.dma_semaphore, #tpu.memory_space<semaphore_mem>>)
      %mul3A_293 = arith.constant 25 : i32
      %mul3A_294 = arith.muli %add3A, %mul3A_293 : i32
      %add3A_295 = arith.addi %mul3A_294, %add3A_277 : i32
      %dma_start3A_296 = arith.constant 0 : i32
      %dma_start3A_297 = tpu.memref_slice %arg3[%add3A_295, %dma_start3A_296] : memref<800x128xi32, #tpu.memory_space<hbm>> -> memref<1x128xi32, #tpu.memory_space<hbm>>
      %dma_start3A_298 = tpu.memref_squeeze %dma_start3A_297 : memref<1x128xi32, #tpu.memory_space<hbm>> -> memref<128xi32, #tpu.memory_space<hbm>>
      %dma_start3A_299 = arith.constant 0 : i32
      %dma_start3A_300 = tpu.memref_slice %arg3[%add3A_295, %dma_start3A_299] : memref<800x128xi32, #tpu.memory_space<hbm>> -> memref<1x128xi32, #tpu.memory_space<hbm>>
      %dma_start3A_301 = tpu.memref_squeeze %dma_start3A_300 : memref<1x128xi32, #tpu.memory_space<hbm>> -> memref<128xi32, #tpu.memory_space<hbm>>
      tpu.enqueue_dma source(%dma_start3A_301 : memref<128xi32, #tpu.memory_space<hbm>>) target(%arg11 : memref<128xi32, #tpu.memory_space<vmem>>) target_semaphore(%arg16 : memref<!tpu.dma_semaphore, #tpu.memory_space<semaphore_mem>>)
      %dma_wait3A_302 = arith.constant 0 : i32
      %dma_wait3A_303 = arith.constant 0 : i32
      %dma_wait3A_304 = tpu.memref_slice %arg10[%dma_wait3A_302, %dma_wait3A_303] : memref<128x128xf32, #tpu.memory_space<vmem>> -> memref<125x128xf32, #tpu.memory_space<vmem>>
      %dma_wait3A_305 = arith.constant 0 : i32
      %dma_wait3A_306 = tpu.memref_slice %arg2[%mul3A_145, %dma_wait3A_305] : memref<100000x128xf32, #tpu.memory_space<hbm>> -> memref<125x128xf32, #tpu.memory_space<hbm>>
      %dma_wait3A_307 = arith.constant 0 : i32
      %dma_wait3A_308 = arith.constant 0 : i32
      %dma_wait3A_309 = tpu.memref_slice %arg10[%dma_wait3A_307, %dma_wait3A_308] : memref<128x128xf32, #tpu.memory_space<vmem>> -> memref<125x128xf32, #tpu.memory_space<vmem>>
      %dma_wait3A_310 = arith.constant 0 : i32
      %dma_wait3A_311 = tpu.memref_slice %arg2[%mul3A_145, %dma_wait3A_310] : memref<100000x128xf32, #tpu.memory_space<hbm>> -> memref<125x128xf32, #tpu.memory_space<hbm>>
      tpu.wait_dma2 semaphore(%arg18 : memref<!tpu.dma_semaphore, #tpu.memory_space<semaphore_mem>>) src(%dma_wait3A_311 : memref<125x128xf32, #tpu.memory_space<hbm>>) dst(%dma_wait3A_309 : memref<125x128xf32, #tpu.memory_space<vmem>>)
      %dma_wait3A_312 = arith.constant 0 : i32
      %dma_wait3A_313 = tpu.memref_slice %arg3[%add3A_158, %dma_wait3A_312] : memref<800x128xi32, #tpu.memory_space<hbm>> -> memref<1x128xi32, #tpu.memory_space<hbm>>
      %dma_wait3A_314 = tpu.memref_squeeze %dma_wait3A_313 : memref<1x128xi32, #tpu.memory_space<hbm>> -> memref<128xi32, #tpu.memory_space<hbm>>
      %dma_wait3A_315 = arith.constant 0 : i32
      %dma_wait3A_316 = tpu.memref_slice %arg3[%add3A_158, %dma_wait3A_315] : memref<800x128xi32, #tpu.memory_space<hbm>> -> memref<1x128xi32, #tpu.memory_space<hbm>>
      %dma_wait3A_317 = tpu.memref_squeeze %dma_wait3A_316 : memref<1x128xi32, #tpu.memory_space<hbm>> -> memref<128xi32, #tpu.memory_space<hbm>>
      tpu.wait_dma2 semaphore(%arg18 : memref<!tpu.dma_semaphore, #tpu.memory_space<semaphore_mem>>) src(%dma_wait3A_317 : memref<128xi32, #tpu.memory_space<hbm>>) dst(%arg13 : memref<128xi32, #tpu.memory_space<vmem>>)
      %add3A_318 = arith.constant 2 : i32
      %add3A_319 = arith.addi %mul3A_138, %add3A_318 : i32
      %dma_start3A_320 = arith.constant 0 : i32
      %dma_start3A_321 = arith.constant 0 : i32
      %dma_start3A_322 = tpu.memref_slice %arg15[%dma_start3A_320, %dma_start3A_321] : memref<512x128xf32, #tpu.memory_space<vmem_shared>> -> memref<512x128xf32, #tpu.memory_space<vmem_shared>>
      tpu.enqueue_indirect_dma source(%arg10 : memref<128x128xf32, #tpu.memory_space<vmem>>) target(%dma_start3A_322 : memref<512x128xf32, #tpu.memory_space<vmem_shared>>) offsets(%arg13 : memref<128xi32, #tpu.memory_space<vmem>>) semaphore(%arg21 : memref<!tpu.dma_semaphore, #tpu.memory_space<semaphore_mem>>) {add = true}
      %mul3A_323 = arith.constant 25 : i32
      %mul3A_324 = arith.muli %add3A, %mul3A_323 : i32
      %add3A_325 = arith.addi %mul3A_324, %add3A_319 : i32
      %mul3A_326 = arith.constant 125 : i32
      %mul3A_327 = arith.muli %add3A_325, %mul3A_326 : i32
      %dma_start3A_328 = arith.constant 0 : i32
      %dma_start3A_329 = arith.constant 0 : i32
      %dma_start3A_330 = tpu.memref_slice %arg10[%dma_start3A_328, %dma_start3A_329] : memref<128x128xf32, #tpu.memory_space<vmem>> -> memref<125x128xf32, #tpu.memory_space<vmem>>
      %dma_start3A_331 = arith.constant 0 : i32
      %dma_start3A_332 = tpu.memref_slice %arg5[%mul3A_327, %dma_start3A_331] : memref<100000x128xf32, #tpu.memory_space<hbm>> -> memref<125x128xf32, #tpu.memory_space<hbm>>
      %dma_start3A_333 = arith.constant 0 : i32
      %dma_start3A_334 = tpu.memref_slice %arg5[%mul3A_327, %dma_start3A_333] : memref<100000x128xf32, #tpu.memory_space<hbm>> -> memref<125x128xf32, #tpu.memory_space<hbm>>
      %dma_start3A_335 = arith.constant 0 : i32
      %dma_start3A_336 = arith.constant 0 : i32
      %dma_start3A_337 = tpu.memref_slice %arg10[%dma_start3A_335, %dma_start3A_336] : memref<128x128xf32, #tpu.memory_space<vmem>> -> memref<125x128xf32, #tpu.memory_space<vmem>>
      tpu.enqueue_dma source(%dma_start3A_337 : memref<125x128xf32, #tpu.memory_space<vmem>>) target(%dma_start3A_334 : memref<125x128xf32, #tpu.memory_space<hbm>>) target_semaphore(%arg24 : memref<!tpu.dma_semaphore, #tpu.memory_space<semaphore_mem>>)
      %get3A_338 = arith.constant 0 : index
      %get3A_339 = tpu.vector_load %arg13[%get3A_338] {strides = array<i32>} : memref<128xi32, #tpu.memory_space<vmem>>, vector<16xi32>,
      tpu.vector_store_idx %arg14[%get3A_339], %broadcast_in_dim3A_10 {add = true} : memref<512xf32, #tpu.memory_space<vmem>>[vector<16xi32>], vector<16xf32>,
      %get3A_340 = arith.constant 16 : index
      %get3A_341 = tpu.vector_load %arg13[%get3A_340] {strides = array<i32>} : memref<128xi32, #tpu.memory_space<vmem>>, vector<16xi32>,
      tpu.vector_store_idx %arg14[%get3A_341], %broadcast_in_dim3A_10 {add = true} : memref<512xf32, #tpu.memory_space<vmem>>[vector<16xi32>], vector<16xf32>,
      %get3A_342 = arith.constant 32 : index
      %get3A_343 = tpu.vector_load %arg13[%get3A_342] {strides = array<i32>} : memref<128xi32, #tpu.memory_space<vmem>>, vector<16xi32>,
      tpu.vector_store_idx %arg14[%get3A_343], %broadcast_in_dim3A_10 {add = true} : memref<512xf32, #tpu.memory_space<vmem>>[vector<16xi32>], vector<16xf32>,
      %get3A_344 = arith.constant 48 : index
      %get3A_345 = tpu.vector_load %arg13[%get3A_344] {strides = array<i32>} : memref<128xi32, #tpu.memory_space<vmem>>, vector<16xi32>,
      tpu.vector_store_idx %arg14[%get3A_345], %broadcast_in_dim3A_10 {add = true} : memref<512xf32, #tpu.memory_space<vmem>>[vector<16xi32>], vector<16xf32>,
      %get3A_346 = arith.constant 64 : index
      %get3A_347 = tpu.vector_load %arg13[%get3A_346] {strides = array<i32>} : memref<128xi32, #tpu.memory_space<vmem>>, vector<16xi32>,
      tpu.vector_store_idx %arg14[%get3A_347], %broadcast_in_dim3A_10 {add = true} : memref<512xf32, #tpu.memory_space<vmem>>[vector<16xi32>], vector<16xf32>,
      %get3A_348 = arith.constant 80 : index
      %get3A_349 = tpu.vector_load %arg13[%get3A_348] {strides = array<i32>} : memref<128xi32, #tpu.memory_space<vmem>>, vector<16xi32>,
      tpu.vector_store_idx %arg14[%get3A_349], %broadcast_in_dim3A_10 {add = true} : memref<512xf32, #tpu.memory_space<vmem>>[vector<16xi32>], vector<16xf32>,
      %get3A_350 = arith.constant 96 : index
      %get3A_351 = tpu.vector_load %arg13[%get3A_350] {strides = array<i32>} : memref<128xi32, #tpu.memory_space<vmem>>, vector<16xi32>,
      tpu.vector_store_idx %arg14[%get3A_351], %broadcast_in_dim3A_10 {add = true} : memref<512xf32, #tpu.memory_space<vmem>>[vector<16xi32>], vector<16xf32>,
      %get3A_352 = arith.constant 112 : index
      %get3A_353 = tpu.vector_load %arg13[%get3A_352] {strides = array<i32>} : memref<128xi32, #tpu.memory_space<vmem>>, vector<16xi32>,
      tpu.vector_store_idx %arg14[%get3A_353], %broadcast_in_dim3A_10 masked %lt3A_12 {add = true} : memref<512xf32, #tpu.memory_space<vmem>>[vector<16xi32>], vector<16xf32>, vector<16xi1>
      %dma_wait3A_354 = arith.constant 0 : i32
      %dma_wait3A_355 = arith.constant 0 : i32
      %dma_wait3A_356 = tpu.memref_slice %arg15[%dma_wait3A_354, %dma_wait3A_355] : memref<512x128xf32, #tpu.memory_space<vmem_shared>> -> memref<512x128xf32, #tpu.memory_space<vmem_shared>>
      tpu.wait_indirect_dma semaphore(%arg20 : memref<!tpu.dma_semaphore, #tpu.memory_space<semaphore_mem>>) src(%arg9 : memref<128x128xf32, #tpu.memory_space<vmem>>) dst(%dma_wait3A_356 : memref<512x128xf32, #tpu.memory_space<vmem_shared>>)
      %dma_wait3A_357 = arith.constant 0 : i32
      %dma_wait3A_358 = arith.constant 0 : i32
      %dma_wait3A_359 = tpu.memref_slice %arg9[%dma_wait3A_357, %dma_wait3A_358] : memref<128x128xf32, #tpu.memory_space<vmem>> -> memref<125x128xf32, #tpu.memory_space<vmem>>
      %dma_wait3A_360 = arith.constant 0 : i32
      %dma_wait3A_361 = tpu.memref_slice %arg5[%mul3A_236, %dma_wait3A_360] : memref<100000x128xf32, #tpu.memory_space<hbm>> -> memref<125x128xf32, #tpu.memory_space<hbm>>
      %dma_wait3A_362 = arith.constant 0 : i32
      %dma_wait3A_363 = tpu.memref_slice %arg5[%mul3A_236, %dma_wait3A_362] : memref<100000x128xf32, #tpu.memory_space<hbm>> -> memref<125x128xf32, #tpu.memory_space<hbm>>
      %dma_wait3A_364 = arith.constant 0 : i32
      %dma_wait3A_365 = arith.constant 0 : i32
      %dma_wait3A_366 = tpu.memref_slice %arg9[%dma_wait3A_364, %dma_wait3A_365] : memref<128x128xf32, #tpu.memory_space<vmem>> -> memref<125x128xf32, #tpu.memory_space<vmem>>
      tpu.wait_dma2 semaphore(%arg23 : memref<!tpu.dma_semaphore, #tpu.memory_space<semaphore_mem>>) src(%dma_wait3A_366 : memref<125x128xf32, #tpu.memory_space<vmem>>) dst(%dma_wait3A_363 : memref<125x128xf32, #tpu.memory_space<hbm>>)
      %lt3A_367 = arith.constant 7 : i32
      %lt3A_368 = arith.cmpi slt, %scan3A_136, %lt3A_367 : i32
      %convert_element_type3A = arith.extui %lt3A_368 : i1 to i32
      %cond3A = arith.constant 0 : i32
      %cond3A_369 = arith.cmpi ne, %convert_element_type3A, %cond3A : i32
      scf.if %cond3A_369 {
        %add3A_399 = arith.constant 4 : i32
        %add3A_400 = arith.addi %mul3A_138, %add3A_399 : i32
        %mul3A_401 = arith.constant 25 : i32
        %mul3A_402 = arith.muli %add3A, %mul3A_401 : i32
        %add3A_403 = arith.addi %mul3A_402, %add3A_400 : i32
        %mul3A_404 = arith.constant 125 : i32
        %mul3A_405 = arith.muli %add3A_403, %mul3A_404 : i32
        %dma_start3A_406 = arith.constant 0 : i32
        %dma_start3A_407 = arith.constant 0 : i32
        %dma_start3A_408 = tpu.memref_slice %arg9[%dma_start3A_406, %dma_start3A_407] : memref<128x128xf32, #tpu.memory_space<vmem>> -> memref<125x128xf32, #tpu.memory_space<vmem>>
        %dma_start3A_409 = arith.constant 0 : i32
        %dma_start3A_410 = tpu.memref_slice %arg2[%mul3A_405, %dma_start3A_409] : memref<100000x128xf32, #tpu.memory_space<hbm>> -> memref<125x128xf32, #tpu.memory_space<hbm>>
        %dma_start3A_411 = arith.constant 0 : i32
        %dma_start3A_412 = arith.constant 0 : i32
        %dma_start3A_413 = tpu.memref_slice %arg9[%dma_start3A_411, %dma_start3A_412] : memref<128x128xf32, #tpu.memory_space<vmem>> -> memref<125x128xf32, #tpu.memory_space<vmem>>
        %dma_start3A_414 = arith.constant 0 : i32
        %dma_start3A_415 = tpu.memref_slice %arg2[%mul3A_405, %dma_start3A_414] : memref<100000x128xf32, #tpu.memory_space<hbm>> -> memref<125x128xf32, #tpu.memory_space<hbm>>
        tpu.enqueue_dma source(%dma_start3A_415 : memref<125x128xf32, #tpu.memory_space<hbm>>) target(%dma_start3A_413 : memref<125x128xf32, #tpu.memory_space<vmem>>) target_semaphore(%arg17 : memref<!tpu.dma_semaphore, #tpu.memory_space<semaphore_mem>>)
        %mul3A_416 = arith.constant 25 : i32
        %mul3A_417 = arith.muli %add3A, %mul3A_416 : i32
        %add3A_418 = arith.addi %mul3A_417, %add3A_400 : i32
        %dma_start3A_419 = arith.constant 0 : i32
        %dma_start3A_420 = tpu.memref_slice %arg3[%add3A_418, %dma_start3A_419] : memref<800x128xi32, #tpu.memory_space<hbm>> -> memref<1x128xi32, #tpu.memory_space<hbm>>
        %dma_start3A_421 = tpu.memref_squeeze %dma_start3A_420 : memref<1x128xi32, #tpu.memory_space<hbm>> -> memref<128xi32, #tpu.memory_space<hbm>>
        %dma_start3A_422 = arith.constant 0 : i32
        %dma_start3A_423 = tpu.memref_slice %arg3[%add3A_418, %dma_start3A_422] : memref<800x128xi32, #tpu.memory_space<hbm>> -> memref<1x128xi32, #tpu.memory_space<hbm>>
        %dma_start3A_424 = tpu.memref_squeeze %dma_start3A_423 : memref<1x128xi32, #tpu.memory_space<hbm>> -> memref<128xi32, #tpu.memory_space<hbm>>
        tpu.enqueue_dma source(%dma_start3A_424 : memref<128xi32, #tpu.memory_space<hbm>>) target(%arg12 : memref<128xi32, #tpu.memory_space<vmem>>) target_semaphore(%arg17 : memref<!tpu.dma_semaphore, #tpu.memory_space<semaphore_mem>>)
      } else {
      }
      %dma_wait3A_370 = arith.constant 0 : i32
      %dma_wait3A_371 = arith.constant 0 : i32
      %dma_wait3A_372 = tpu.memref_slice %arg15[%dma_wait3A_370, %dma_wait3A_371] : memref<512x128xf32, #tpu.memory_space<vmem_shared>> -> memref<512x128xf32, #tpu.memory_space<vmem_shared>>
      tpu.wait_indirect_dma semaphore(%arg21 : memref<!tpu.dma_semaphore, #tpu.memory_space<semaphore_mem>>) src(%arg10 : memref<128x128xf32, #tpu.memory_space<vmem>>) dst(%dma_wait3A_372 : memref<512x128xf32, #tpu.memory_space<vmem_shared>>)
      %dma_wait3A_373 = arith.constant 0 : i32
      %dma_wait3A_374 = arith.constant 0 : i32
      %dma_wait3A_375 = tpu.memref_slice %arg10[%dma_wait3A_373, %dma_wait3A_374] : memref<128x128xf32, #tpu.memory_space<vmem>> -> memref<125x128xf32, #tpu.memory_space<vmem>>
      %dma_wait3A_376 = arith.constant 0 : i32
      %dma_wait3A_377 = tpu.memref_slice %arg5[%mul3A_327, %dma_wait3A_376] : memref<100000x128xf32, #tpu.memory_space<hbm>> -> memref<125x128xf32, #tpu.memory_space<hbm>>
      %dma_wait3A_378 = arith.constant 0 : i32
      %dma_wait3A_379 = tpu.memref_slice %arg5[%mul3A_327, %dma_wait3A_378] : memref<100000x128xf32, #tpu.memory_space<hbm>> -> memref<125x128xf32, #tpu.memory_space<hbm>>
      %dma_wait3A_380 = arith.constant 0 : i32
      %dma_wait3A_381 = arith.constant 0 : i32
      %dma_wait3A_382 = tpu.memref_slice %arg10[%dma_wait3A_380, %dma_wait3A_381] : memref<128x128xf32, #tpu.memory_space<vmem>> -> memref<125x128xf32, #tpu.memory_space<vmem>>
      tpu.wait_dma2 semaphore(%arg24 : memref<!tpu.dma_semaphore, #tpu.memory_space<semaphore_mem>>) src(%dma_wait3A_382 : memref<125x128xf32, #tpu.memory_space<vmem>>) dst(%dma_wait3A_379 : memref<125x128xf32, #tpu.memory_space<hbm>>)
      %dma_wait3A_383 = arith.constant 0 : i32
      %dma_wait3A_384 = arith.constant 0 : i32
      %dma_wait3A_385 = tpu.memref_slice %arg8[%dma_wait3A_383, %dma_wait3A_384] : memref<128x128xf32, #tpu.memory_space<vmem>> -> memref<125x128xf32, #tpu.memory_space<vmem>>
      %dma_wait3A_386 = arith.constant 0 : i32
      %dma_wait3A_387 = tpu.memref_slice %arg2[%mul3A_282, %dma_wait3A_386] : memref<100000x128xf32, #tpu.memory_space<hbm>> -> memref<125x128xf32, #tpu.memory_space<hbm>>
      %dma_wait3A_388 = arith.constant 0 : i32
      %dma_wait3A_389 = arith.constant 0 : i32
      %dma_wait3A_390 = tpu.memref_slice %arg8[%dma_wait3A_388, %dma_wait3A_389] : memref<128x128xf32, #tpu.memory_space<vmem>> -> memref<125x128xf32, #tpu.memory_space<vmem>>
      %dma_wait3A_391 = arith.constant 0 : i32
      %dma_wait3A_392 = tpu.memref_slice %arg2[%mul3A_282, %dma_wait3A_391] : memref<100000x128xf32, #tpu.memory_space<hbm>> -> memref<125x128xf32, #tpu.memory_space<hbm>>
      tpu.wait_dma2 semaphore(%arg16 : memref<!tpu.dma_semaphore, #tpu.memory_space<semaphore_mem>>) src(%dma_wait3A_392 : memref<125x128xf32, #tpu.memory_space<hbm>>) dst(%dma_wait3A_390 : memref<125x128xf32, #tpu.memory_space<vmem>>)
      %dma_wait3A_393 = arith.constant 0 : i32
      %dma_wait3A_394 = tpu.memref_slice %arg3[%add3A_295, %dma_wait3A_393] : memref<800x128xi32, #tpu.memory_space<hbm>> -> memref<1x128xi32, #tpu.memory_space<hbm>>
      %dma_wait3A_395 = tpu.memref_squeeze %dma_wait3A_394 : memref<1x128xi32, #tpu.memory_space<hbm>> -> memref<128xi32, #tpu.memory_space<hbm>>
      %dma_wait3A_396 = arith.constant 0 : i32
      %dma_wait3A_397 = tpu.memref_slice %arg3[%add3A_295, %dma_wait3A_396] : memref<800x128xi32, #tpu.memory_space<hbm>> -> memref<1x128xi32, #tpu.memory_space<hbm>>
      %dma_wait3A_398 = tpu.memref_squeeze %dma_wait3A_397 : memref<1x128xi32, #tpu.memory_space<hbm>> -> memref<128xi32, #tpu.memory_space<hbm>>
      tpu.wait_dma2 semaphore(%arg16 : memref<!tpu.dma_semaphore, #tpu.memory_space<semaphore_mem>>) src(%dma_wait3A_398 : memref<128xi32, #tpu.memory_space<hbm>>) dst(%arg11 : memref<128xi32, #tpu.memory_space<vmem>>)
    }
    %scan3A_84 = arith.constant 8 : i32
    %dma_start3A_85 = arith.constant 0 : i32
    %dma_start3A_86 = arith.constant 0 : i32
    %dma_start3A_87 = tpu.memref_slice %arg15[%dma_start3A_85, %dma_start3A_86] : memref<512x128xf32, #tpu.memory_space<vmem_shared>> -> memref<512x128xf32, #tpu.memory_space<vmem_shared>>
    tpu.enqueue_indirect_dma source(%arg8 : memref<128x128xf32, #tpu.memory_space<vmem>>) target(%dma_start3A_87 : memref<512x128xf32, #tpu.memory_space<vmem_shared>>) offsets(%arg11 : memref<128xi32, #tpu.memory_space<vmem>>) semaphore(%arg19 : memref<!tpu.dma_semaphore, #tpu.memory_space<semaphore_mem>>) {add = true}
    %mul3A_88 = arith.constant 25 : i32
    %mul3A_89 = arith.muli %add3A, %mul3A_88 : i32
    %add3A_90 = arith.constant 24 : i32
    %add3A_91 = arith.addi %mul3A_89, %add3A_90 : i32
    %mul3A_92 = arith.constant 125 : i32
    %mul3A_93 = arith.muli %add3A_91, %mul3A_92 : i32
    %dma_start3A_94 = arith.constant 0 : i32
    %dma_start3A_95 = arith.constant 0 : i32
    %dma_start3A_96 = tpu.memref_slice %arg8[%dma_start3A_94, %dma_start3A_95] : memref<128x128xf32, #tpu.memory_space<vmem>> -> memref<125x128xf32, #tpu.memory_space<vmem>>
    %dma_start3A_97 = arith.constant 0 : i32
    %dma_start3A_98 = tpu.memref_slice %arg5[%mul3A_93, %dma_start3A_97] : memref<100000x128xf32, #tpu.memory_space<hbm>> -> memref<125x128xf32, #tpu.memory_space<hbm>>
    %dma_start3A_99 = arith.constant 0 : i32
    %dma_start3A_100 = tpu.memref_slice %arg5[%mul3A_93, %dma_start3A_99] : memref<100000x128xf32, #tpu.memory_space<hbm>> -> memref<125x128xf32, #tpu.memory_space<hbm>>
    %dma_start3A_101 = arith.constant 0 : i32
    %dma_start3A_102 = arith.constant 0 : i32
    %dma_start3A_103 = tpu.memref_slice %arg8[%dma_start3A_101, %dma_start3A_102] : memref<128x128xf32, #tpu.memory_space<vmem>> -> memref<125x128xf32, #tpu.memory_space<vmem>>
    tpu.enqueue_dma source(%dma_start3A_103 : memref<125x128xf32, #tpu.memory_space<vmem>>) target(%dma_start3A_100 : memref<125x128xf32, #tpu.memory_space<hbm>>) target_semaphore(%arg22 : memref<!tpu.dma_semaphore, #tpu.memory_space<semaphore_mem>>)
    %get3A = arith.constant 0 : index
    %get3A_104 = tpu.vector_load %arg11[%get3A] {strides = array<i32>} : memref<128xi32, #tpu.memory_space<vmem>>, vector<16xi32>,
    tpu.vector_store_idx %arg14[%get3A_104], %broadcast_in_dim3A_10 {add = true} : memref<512xf32, #tpu.memory_space<vmem>>[vector<16xi32>], vector<16xf32>,
    %get3A_105 = arith.constant 16 : index
    %get3A_106 = tpu.vector_load %arg11[%get3A_105] {strides = array<i32>} : memref<128xi32, #tpu.memory_space<vmem>>, vector<16xi32>,
    tpu.vector_store_idx %arg14[%get3A_106], %broadcast_in_dim3A_10 {add = true} : memref<512xf32, #tpu.memory_space<vmem>>[vector<16xi32>], vector<16xf32>,
    %get3A_107 = arith.constant 32 : index
    %get3A_108 = tpu.vector_load %arg11[%get3A_107] {strides = array<i32>} : memref<128xi32, #tpu.memory_space<vmem>>, vector<16xi32>,
    tpu.vector_store_idx %arg14[%get3A_108], %broadcast_in_dim3A_10 {add = true} : memref<512xf32, #tpu.memory_space<vmem>>[vector<16xi32>], vector<16xf32>,
    %get3A_109 = arith.constant 48 : index
    %get3A_110 = tpu.vector_load %arg11[%get3A_109] {strides = array<i32>} : memref<128xi32, #tpu.memory_space<vmem>>, vector<16xi32>,
    tpu.vector_store_idx %arg14[%get3A_110], %broadcast_in_dim3A_10 {add = true} : memref<512xf32, #tpu.memory_space<vmem>>[vector<16xi32>], vector<16xf32>,
    %get3A_111 = arith.constant 64 : index
    %get3A_112 = tpu.vector_load %arg11[%get3A_111] {strides = array<i32>} : memref<128xi32, #tpu.memory_space<vmem>>, vector<16xi32>,
    tpu.vector_store_idx %arg14[%get3A_112], %broadcast_in_dim3A_10 {add = true} : memref<512xf32, #tpu.memory_space<vmem>>[vector<16xi32>], vector<16xf32>,
    %get3A_113 = arith.constant 80 : index
    %get3A_114 = tpu.vector_load %arg11[%get3A_113] {strides = array<i32>} : memref<128xi32, #tpu.memory_space<vmem>>, vector<16xi32>,
    tpu.vector_store_idx %arg14[%get3A_114], %broadcast_in_dim3A_10 {add = true} : memref<512xf32, #tpu.memory_space<vmem>>[vector<16xi32>], vector<16xf32>,
    %get3A_115 = arith.constant 96 : index
    %get3A_116 = tpu.vector_load %arg11[%get3A_115] {strides = array<i32>} : memref<128xi32, #tpu.memory_space<vmem>>, vector<16xi32>,
    tpu.vector_store_idx %arg14[%get3A_116], %broadcast_in_dim3A_10 {add = true} : memref<512xf32, #tpu.memory_space<vmem>>[vector<16xi32>], vector<16xf32>,
    %get3A_117 = arith.constant 112 : index
    %get3A_118 = tpu.vector_load %arg11[%get3A_117] {strides = array<i32>} : memref<128xi32, #tpu.memory_space<vmem>>, vector<16xi32>,
    tpu.vector_store_idx %arg14[%get3A_118], %broadcast_in_dim3A_10 masked %lt3A_12 {add = true} : memref<512xf32, #tpu.memory_space<vmem>>[vector<16xi32>], vector<16xf32>, vector<16xi1>
    %dma_wait3A_119 = arith.constant 0 : i32
    %dma_wait3A_120 = arith.constant 0 : i32
    %dma_wait3A_121 = tpu.memref_slice %arg15[%dma_wait3A_119, %dma_wait3A_120] : memref<512x128xf32, #tpu.memory_space<vmem_shared>> -> memref<512x128xf32, #tpu.memory_space<vmem_shared>>
    tpu.wait_indirect_dma semaphore(%arg19 : memref<!tpu.dma_semaphore, #tpu.memory_space<semaphore_mem>>) src(%arg8 : memref<128x128xf32, #tpu.memory_space<vmem>>) dst(%dma_wait3A_121 : memref<512x128xf32, #tpu.memory_space<vmem_shared>>)
    %dma_wait3A_122 = arith.constant 0 : i32
    %dma_wait3A_123 = arith.constant 0 : i32
    %dma_wait3A_124 = tpu.memref_slice %arg8[%dma_wait3A_122, %dma_wait3A_123] : memref<128x128xf32, #tpu.memory_space<vmem>> -> memref<125x128xf32, #tpu.memory_space<vmem>>
    %dma_wait3A_125 = arith.constant 0 : i32
    %dma_wait3A_126 = tpu.memref_slice %arg5[%mul3A_93, %dma_wait3A_125] : memref<100000x128xf32, #tpu.memory_space<hbm>> -> memref<125x128xf32, #tpu.memory_space<hbm>>
    %dma_wait3A_127 = arith.constant 0 : i32
    %dma_wait3A_128 = tpu.memref_slice %arg5[%mul3A_93, %dma_wait3A_127] : memref<100000x128xf32, #tpu.memory_space<hbm>> -> memref<125x128xf32, #tpu.memory_space<hbm>>
    %dma_wait3A_129 = arith.constant 0 : i32
    %dma_wait3A_130 = arith.constant 0 : i32
    %dma_wait3A_131 = tpu.memref_slice %arg8[%dma_wait3A_129, %dma_wait3A_130] : memref<128x128xf32, #tpu.memory_space<vmem>> -> memref<125x128xf32, #tpu.memory_space<vmem>>
    tpu.wait_dma2 semaphore(%arg22 : memref<!tpu.dma_semaphore, #tpu.memory_space<semaphore_mem>>) src(%dma_wait3A_131 : memref<125x128xf32, #tpu.memory_space<vmem>>) dst(%dma_wait3A_128 : memref<125x128xf32, #tpu.memory_space<hbm>>)
    %barrier3A_132 = arith.constant 0 : index
    tpu.barrier barrier_id(%barrier3A_132)
    %mul3A_133 = arith.constant 512 : i32
    %mul3A_134 = arith.muli %arg0, %mul3A_133 : i32
    %add3A_135 = arith.addi %mul3A_134, %mul3A_2 : i32
    "tpu.region"() ({
      %run_scoped3A = tpu.sem_alloc : memref<!tpu.dma_semaphore, #tpu.memory_space<semaphore_mem>>
      %dma_start3A_136 = arith.constant 0 : i32
      %dma_start3A_137 = tpu.memref_slice %arg6[%add3A_135, %dma_start3A_136] : memref<1024x128xf32, #tpu.memory_space<hbm>> -> memref<32x128xf32, #tpu.memory_space<hbm>>
      %dma_start3A_138 = arith.constant 0 : i32
      %dma_start3A_139 = tpu.memref_slice %arg15[%mul3A_2, %dma_start3A_138] : memref<512x128xf32, #tpu.memory_space<vmem_shared>> -> memref<32x128xf32, #tpu.memory_space<vmem_shared>>
      tpu.enqueue_dma source(%dma_start3A_139 : memref<32x128xf32, #tpu.memory_space<vmem_shared>>) target(%dma_start3A_137 : memref<32x128xf32, #tpu.memory_space<hbm>>) target_semaphore(%run_scoped3A : memref<!tpu.dma_semaphore, #tpu.memory_space<semaphore_mem>>)
      %dma_wait3A_140 = arith.constant 0 : i32
      %dma_wait3A_141 = tpu.memref_slice %arg6[%add3A_135, %dma_wait3A_140] : memref<1024x128xf32, #tpu.memory_space<hbm>> -> memref<32x128xf32, #tpu.memory_space<hbm>>
      %dma_wait3A_142 = arith.constant 0 : i32
      %dma_wait3A_143 = tpu.memref_slice %arg15[%mul3A_2, %dma_wait3A_142] : memref<512x128xf32, #tpu.memory_space<vmem_shared>> -> memref<32x128xf32, #tpu.memory_space<vmem_shared>>
      tpu.wait_dma2 semaphore(%run_scoped3A : memref<!tpu.dma_semaphore, #tpu.memory_space<semaphore_mem>>) src(%dma_wait3A_143 : memref<32x128xf32, #tpu.memory_space<vmem_shared>>) dst(%dma_wait3A_141 : memref<32x128xf32, #tpu.memory_space<hbm>>)
      tpu.yield
    }) : () -> ()
    "tpu.region"() ({
      %run_scoped3A = tpu.sem_alloc : memref<!tpu.dma_semaphore, #tpu.memory_space<semaphore_mem>>
      %dma_start3A_136 = arith.constant 0 : i32
      %dma_start3A_137 = tpu.memref_slice %arg7[%add3A, %dma_start3A_136] : memref<32x512xf32, #tpu.memory_space<hbm>> -> memref<1x512xf32, #tpu.memory_space<hbm>>
      %dma_start3A_138 = tpu.memref_squeeze %dma_start3A_137 : memref<1x512xf32, #tpu.memory_space<hbm>> -> memref<512xf32, #tpu.memory_space<hbm>>
      %dma_start3A_139 = arith.constant 0 : i32
      %dma_start3A_140 = tpu.memref_slice %arg7[%add3A, %dma_start3A_139] : memref<32x512xf32, #tpu.memory_space<hbm>> -> memref<1x512xf32, #tpu.memory_space<hbm>>
      %dma_start3A_141 = tpu.memref_squeeze %dma_start3A_140 : memref<1x512xf32, #tpu.memory_space<hbm>> -> memref<512xf32, #tpu.memory_space<hbm>>
      tpu.enqueue_dma source(%arg14 : memref<512xf32, #tpu.memory_space<vmem>>) target(%dma_start3A_141 : memref<512xf32, #tpu.memory_space<hbm>>) target_semaphore(%run_scoped3A : memref<!tpu.dma_semaphore, #tpu.memory_space<semaphore_mem>>)
      %dma_wait3A_142 = arith.constant 0 : i32
      %dma_wait3A_143 = tpu.memref_slice %arg7[%add3A, %dma_wait3A_142] : memref<32x512xf32, #tpu.memory_space<hbm>> -> memref<1x512xf32, #tpu.memory_space<hbm>>
      %dma_wait3A_144 = tpu.memref_squeeze %dma_wait3A_143 : memref<1x512xf32, #tpu.memory_space<hbm>> -> memref<512xf32, #tpu.memory_space<hbm>>
      %dma_wait3A_145 = arith.constant 0 : i32
      %dma_wait3A_146 = tpu.memref_slice %arg7[%add3A, %dma_wait3A_145] : memref<32x512xf32, #tpu.memory_space<hbm>> -> memref<1x512xf32, #tpu.memory_space<hbm>>
      %dma_wait3A_147 = tpu.memref_squeeze %dma_wait3A_146 : memref<1x512xf32, #tpu.memory_space<hbm>> -> memref<512xf32, #tpu.memory_space<hbm>>
      tpu.wait_dma2 semaphore(%run_scoped3A : memref<!tpu.dma_semaphore, #tpu.memory_space<semaphore_mem>>) src(%arg14 : memref<512xf32, #tpu.memory_space<vmem>>) dst(%dma_wait3A_147 : memref<512xf32, #tpu.memory_space<hbm>>)
      tpu.yield
    }) : () -> ()
    return
  }
}

module attributes {stable_mosaic.version = 14 : i64} {
  func.func @_combine_body(%arg0: memref<2x512x128xf32, #tpu.memory_space<vmem>>, %arg1: memref<32x512xf32, #tpu.memory_space<vmem>>, %arg2: memref<512x128xf32, #tpu.memory_space<vmem>>) attributes {dimension_semantics = [], scalar_prefetch = 0 : i64, scratch_operands = 0 : i64, tpu.core_type = #tpu.core_type<tc>} {
    %get3A = arith.constant 0 : index
    %get3A_0 = arith.constant 0 : index
    %get3A_1 = arith.constant 0 : index
    %get3A_2 = vector.load %arg0[%get3A, %get3A_0, %get3A_1] : memref<2x512x128xf32, #tpu.memory_space<vmem>>, vector<1x512x128xf32>
    %get3A_3 = vector.shape_cast %get3A_2 : vector<1x512x128xf32> to vector<512x128xf32>
    %get3A_4 = arith.constant 1 : index
    %get3A_5 = arith.constant 0 : index
    %get3A_6 = arith.constant 0 : index
    %get3A_7 = vector.load %arg0[%get3A_4, %get3A_5, %get3A_6] : memref<2x512x128xf32, #tpu.memory_space<vmem>>, vector<1x512x128xf32>
    %get3A_8 = vector.shape_cast %get3A_7 : vector<1x512x128xf32> to vector<512x128xf32>
    %add3A = arith.addf %get3A_3, %get3A_8 : vector<512x128xf32>
    %get3A_9 = arith.constant 0 : index
    %get3A_10 = arith.constant 0 : index
    %get3A_11 = vector.load %arg1[%get3A_9, %get3A_10] : memref<32x512xf32, #tpu.memory_space<vmem>>, vector<32x512xf32>
    %reduce_sum3A = arith.constant dense<0.000000e+00> : vector<512xf32>
    %reduce_sum3A_12 = vector.multi_reduction <add>, %get3A_11, %reduce_sum3A [0] : vector<32x512xf32> to vector<512xf32>
    %max3A = arith.constant 1.000000e+00 : f32
    %max3A_13 = vector.broadcast %max3A : f32 to vector<512xf32>
    %max3A_14 = arith.maximumf %reduce_sum3A_12, %max3A_13 : vector<512xf32>
    %add3A_15 = arith.constant 9.99999997E-7 : f32
    %add3A_16 = vector.broadcast %add3A_15 : f32 to vector<512xf32>
    %add3A_17 = arith.addf %reduce_sum3A_12, %add3A_16 : vector<512xf32>
    %sqrt3A = math.sqrt %add3A_17 : vector<512xf32>
    %mul3A = arith.mulf %max3A_14, %sqrt3A : vector<512xf32>
    %div3A = arith.constant 1.000000e+00 : f32
    %div3A_18 = vector.broadcast %div3A : f32 to vector<512xf32>
    %div3A_19 = arith.divf %div3A_18, %mul3A : vector<512xf32>
    %broadcast_in_dim3A = vector.shape_cast %div3A_19 : vector<512xf32> to vector<512x1xf32>
    %mul3A_20 = vector.broadcast %broadcast_in_dim3A : vector<512x1xf32> to vector<512x128xf32>
    %mul3A_21 = arith.mulf %add3A, %mul3A_20 : vector<512x128xf32>
    %swap3A = arith.constant 0 : index
    %swap3A_22 = arith.constant 0 : index
    %swap3A_23 = vector.load %arg2[%swap3A, %swap3A_22] : memref<512x128xf32, #tpu.memory_space<vmem>>, vector<512x128xf32>
    tpu.vector_store %arg2[%swap3A, %swap3A_22], %mul3A_21 {strides = array<i32>} : memref<512x128xf32, #tpu.memory_space<vmem>>, vector<512x128xf32>,
    return
  }
}

</mosaic_0001>

<sc_bundles>
// kernel: kernel.4.cloned.1.call-start
scs
__scs_entry_jumppad:
0x0: {  	(pc) =	sbr.rel $0x88, $3  }
0x1: {  	(tag) =	ssettag $0x0;
	lr =	simm.s32 $0x1  }
0x2: {  	[smem:$0x3F9F] =	sst lr;
	_ =	strace $0xD0000000  }
0x3: {  	_ = 	snop  }
0x4: {  	_ = 	snop  }
0x5: {  	_ = 	snop  }
0x6: {  	_ = 	snop  }
0x7: {  	_ = 	snop  }
__scs_overlays_trampoline_lowered:
0x8: {  	[smem:$0x3FAE] =	sst s0  }
0x9: {  	[smem:$0x3FAF] =	sst s1  }
0xa: {  	[smem:$0x3FB0] =	sst s2  }
0xb: {  	[smem:$0x3FB1] =	sst s3  }
0xc: {  	[smem:$0x3FB2] =	sst s4  }
0xd: {  	[smem:$0x3FB3] =	sst s5  }
0xe: {  	[smem:$0x3FB4] =	sst s6  }
0xf: {  	[smem:$0x3FB5] =	sst s7  }
0x10: {  	[smem:$0x3FB6] =	sst s8  }
0x11: {  	[smem:$0x3FB7] =	sst s9;
	s0 =	simm.s32 @!p0 $0x0  }
0x12: {  	s1 =	sld [smem:$0x3F9D];
	s0 =	simm.s32 @p0 $0x1  }
0x13: {  	[smem:$0x3FB8] =	sst s0;
	s0 =	simm.s32 @!p1 $0x0  }
0x14: {  	s2 =	sld [smem:$0x3F9C];
	s0 =	simm.s32 @p1 $0x1  }
0x15: {  	[smem:$0x3FB9] =	sst s0;
	s0 =	simm.s32 @!p2 $0x0  }
0x16: {  	s3 =	sld [smem:$0x3FDB];
	s0 =	simm.s32 @p2 $0x1  }
0x17: {  	s4 =	simm.s32 $0x1BF5;
	[smem:$0x3FBB] =	sst s0  }
0x18: {  	s0 =	sld [smem:$0x3F9E];
	_ =	swait.ge [sflag:s4], $0x0  }
0x19: {  	s7 =	sld [smem:$0x3F9F]  }
0x1a: {  	s8 =	sadd.s32 $0xFFFFE003, lr  }
0x1b: {  	s9 =	sadd.s32 $0xFFFFFEF7, lr;
	s5 =	simm.s32 $0xFFFFFFFF;
	p2 =	slt.u32 s8, $0xFFFFF086  }
0x1c: {  	p1 =	slt.u32 s9, $0xF7A;
	s5 =	simm.s32 @!p2 $0x0  }
0x1d: {  	s5 =	simm.s32 @p1 $0x1;
	p0 =	seq.s32 s7, s2  }
0x1e: {  	s7 =	smul.u32 @!p0 $0xF7A, s2;
	p2 =	seq.s32 @!p0 s5, $0x0  }
0x1f: {  	s9 =	smul.u32 $0xF7A, s1;
	s8 =	simm.s32 @!p0 $0x1BF5;
	p2 =	por !p2, p0  }
0x20: {  	[sflag:s8] =	ssyncset.s32 @!p0 $0xFFFFF086;
	s6 =	sadd.s32 @!p0 s3, s7;
	s7 =	simm.s32 @!p0 $0x108  }
0x21: {  	s3 =	sadd.s32 s3, s9;
	s6 =	sadd.s32 @!p0 $0x88, s6;
	s7 =	simm.s32 @p2 $0x1082  }
0x22: {  	[simem:s7], [sflag:s8] =	dma.local @!p0 [hbm:s6], $0xF7A  }
0x23: {  	s9 =	sor.u32 $0xD0000000, s2;
	s6 =	simm.s32 $0x108;
	_ =	swait.ge @!p0 [sflag:s8], $0x0  }
0x24: {  	s3 =	sadd.s32 $0x88, s3;
	s6 =	simm.s32 @!p1 $0x1082;
	[sflag:s4] =	ssyncset.s32 $0xFFFFF086  }
0x25: {  	[simem:s6], [sflag:s4] =	dma.local [hbm:s3], $0xF7A  }
0x26: {  	[smem:$0x3F9F] =	sst s1;
	(tag) =	ssettag s2;
	_ =	strace s9  }
0x27: {  	s1 =	sld [smem:$0x3FAF]  }
0x28: {  	s2 =	sld [smem:$0x3FB0]  }
0x29: {  	s4 =	sld [smem:$0x3FB2]  }
0x2a: {  	p0 =	seq.s32 s5, $0x0;
	s5 =	sld [smem:$0x3FB3]  }
0x2b: {  	s6 =	sld [smem:$0x3FB4]  }
0x2c: {  	s7 =	sld [smem:$0x3FB5]  }
0x2d: {  	s3 =	simm.s32 $0x108;
	s8 =	sld [smem:$0x3FB6]  }
0x2e: {  	s3 =	simm.s32 @!p0 $0x1082;
	s9 =	sld [smem:$0x3FB7]  }
0x2f: {  	lr =	sadd.s32 s0, s3;
	s0 =	sld [smem:$0x3FAE]  }
0x30: {  	s3 =	sld [smem:$0x3FB1]  }
0x31: {  	[smem:$0x3FBA] =	sst s10  }
0x32: {  	s10 =	sld [smem:$0x3FB8];
	_ =	sdelay $0x3  }
0x33: {  	p0 =	seq.s32 s10, $0x1;
	s10 =	sld [smem:$0x3FBA];
	_ =	sdelay $0x3  }
0x34: {  	[smem:$0x3FBA] =	sst s10  }
0x35: {  	s10 =	sld [smem:$0x3FB9];
	_ =	sdelay $0x3  }
0x36: {  	p1 =	seq.s32 s10, $0x1;
	s10 =	sld [smem:$0x3FBA];
	_ =	sdelay $0x3  }
0x37: {  	[smem:$0x3FBA] =	sst s10  }
0x38: {  	s10 =	sld [smem:$0x3FBB]  }
0x39: {  	_ = 	snop;
	(pc) =	sbr.ind lr, $3  }
0x3a: {  	_ = 	snop  }
0x3b: {  	_ = 	snop  }
0x3c: {  	p2 =	seq.s32 s10, $0x1;
	s10 =	sld [smem:$0x3FBA]  }
0x3d: {  	_ =	shalt  }
0x3e: {  	_ =	shalt  }
0x3f: {  	_ =	shalt  }
0x40: {  	_ =	shalt  }
0x41: {  	_ =	shalt  }
0x42: {  	_ =	shalt  }
0x43: {  	_ =	shalt  }
0x44: {  	_ =	shalt  }
0x45: {  	_ =	shalt  }
0x46: {  	_ =	shalt  }
0x47: {  	_ =	shalt  }
0x48: {  	_ =	shalt  }
0x49: {  	_ =	shalt  }
0x4a: {  	_ =	shalt  }
0x4b: {  	_ =	shalt  }
0x4c: {  	_ =	shalt  }
0x4d: {  	_ =	shalt  }
0x4e: {  	_ =	shalt  }
0x4f: {  	_ =	shalt  }
0x50: {  	_ =	shalt  }
0x51: {  	_ =	shalt  }
0x52: {  	_ =	shalt  }
0x53: {  	_ =	shalt  }
0x54: {  	_ =	shalt  }
0x55: {  	_ =	shalt  }
0x56: {  	_ =	shalt  }
0x57: {  	_ =	shalt  }
0x58: {  	_ =	shalt  }
0x59: {  	_ =	shalt  }
0x5a: {  	_ =	shalt  }
0x5b: {  	_ =	shalt  }
0x5c: {  	_ =	shalt  }
0x5d: {  	_ =	shalt  }
0x5e: {  	_ =	shalt  }
0x5f: {  	_ =	shalt  }
0x60: {  	_ =	shalt  }
0x61: {  	_ =	shalt  }
0x62: {  	_ =	shalt  }
0x63: {  	_ =	shalt  }
0x64: {  	_ =	shalt  }
0x65: {  	_ =	shalt  }
0x66: {  	_ =	shalt  }
0x67: {  	_ =	shalt  }
0x68: {  	_ =	shalt  }
0x69: {  	_ =	shalt  }
0x6a: {  	_ =	shalt  }
0x6b: {  	_ =	shalt  }
0x6c: {  	_ =	shalt  }
0x6d: {  	_ =	shalt  }
0x6e: {  	_ =	shalt  }
0x6f: {  	_ =	shalt  }
0x70: {  	_ =	shalt  }
0x71: {  	_ =	shalt  }
0x72: {  	_ =	shalt  }
0x73: {  	_ =	shalt  }
0x74: {  	_ =	shalt  }
0x75: {  	_ =	shalt  }
0x76: {  	_ =	shalt  }
0x77: {  	_ =	shalt  }
0x78: {  	_ =	shalt  }
0x79: {  	_ =	shalt  }
0x7a: {  	_ =	shalt  }
0x7b: {  	_ =	shalt  }
0x7c: {  	_ =	shalt  }
0x7d: {  	_ =	shalt  }
0x7e: {  	_ =	shalt  }
0x7f: {  	_ =	shalt  }
0x80: {  	_ =	shalt  }
0x81: {  	_ =	shalt  }
0x82: {  	_ =	shalt  }
0x83: {  	_ =	shalt  }
0x84: {  	_ =	shalt  }
0x85: {  	_ =	shalt  }
0x86: {  	_ =	shalt  }
0x87: {  	_ =	shalt  }
.Lfunc_end0:
.L_simem_size_0:
called_computation_lowered:
.L_overlay_start_0:
0x88: {  	s2 =	sld [smem:$0x3FD9]  }
0x89: {  	s3 =	sld [smem:$0x3FFE];
	_ =	sdelay $0x1  }
0x8a: {  	s1 =	srdreg.scid  }
0x8b: {  	s0 =	sand.u32 $0x1, s1  }
0x8c: {  	s14 =	sshll.u32 s0, $0xA;
	s2 =	sadd.s32 s3, s2  }
0x8d: {  	s2 =	sadd.s32 s2, s14  }
0x8e: {  	[smem:$0x3FC6] =	sst s2  }
0x8f: {  	_ = 	snop  }
0x90: {  	s2 =	sld [smem:$0x3FD0];
	_ =	sdelay $0x2  }
0x91: {  	s4 =	simm.s32 $0xA;
	s5 =	simm.s32 $0x10;
	s15 =	sld [smem:$0x3FC9]  }
0x92: {  	[smem:s5], [sflag:s4] =	dma.local [hbm:s2], $0x1  }
0x93: {  	_ =	swait.eq [sflag:s4], $0x1  }
0x94: {  	[sflag:s4] =	ssyncset.done $0x0  }
0x95: {  	s16 =	sld [smem:$0x10];
	[sflag:s4] =	ssyncadd.s32 $0xFFFFFFFF  }
0x96: {  	s17 =	sld [smem:$0x11];
	(tm) =	ssettm $0x1  }
0x97: {  	s18 =	sld [smem:$0x3FFB];
	_ =	sdelay $0x3  }
0x98: {  	_ =	strace s18  }
0x99: {  	s5 =	sld [smem:$0x3FFC];
	_ =	sdelay $0x3  }
0x9a: {  	_ =	strace s5  }
0x9b: {  	s5 =	sld [smem:$0x3FFD];
	_ =	sdelay $0x3  }
0x9c: {  	_ =	strace s5  }
0x9d: {  	_ =	strace $0x8FFFFFFF  }
0x9e: {  	s19 =	sld [smem:$0x3FDB];
	_ =	sdelay $0x1  }
0x9f: {  	s6 =	simm.s32 $_scs_section_size  }
0xa0: {  	s7 =	simm.s32 $_size__tile_overlayer_lowered;
	s8 =	simm.s32 $_tile_overlayer_lowered  }
0xa1: {  	s22 =	simm.s32 $0x1BFF;
	s21 =	sshll.u32 s8, $0x1;
	s5 =	sadd.s32 s6, s19  }
0xa2: {  	s9 =	simm.s32 $0x0;
	s20 =	sshll.u32 s7, $0x1;
	s7 =	sadd.s32 s21, s5  }
0xa3: {  	[timem:s9], [sflag:s22] =	dma.local [hbm:s7], s20  }
0xa4: {  	_ =	swait.ge [sflag:s22], s20  }
0xa5: {  	s6 =	ssub.s32 $0x0, s20;
	[sflag:s22] =	ssyncset.done $0x0  }
0xa6: {  	[sflag:s22] =	ssyncadd.s32 s6;
	_ =	sdelay $0x1  }
0xa7: {  	s23 =	simm.s32 $0x1B8B  }
0xa8: {  	_ =	swait.ge [sflag:s23], $0x1  }
0xa9: {  	[sflag:s23] =	ssyncset.done $0x0  }
0xaa: {  	s25 =	simm.s32 $0x1B8E;
	s24 =	sld [smem:$0x3FFE];
	[sflag:s23] =	ssyncadd.s32 $0xFFFFFFFF  }
0xab: {  	s26 =	simm.s32 $execute0_lowered;
	[smem:$0x3FD2] =	sst s25  }
0xac: {  	s7 =	sshll.u32 s26, $0x1;
	_ =	strace $0x80000046;
	[dreg:$0x1] =	wrdreg $0xFFFFFFFF  }
0xad: {  	s28 =	simm.s32 $_size_execute0_lowered;
	s5 =	sadd.s32 s5, s7;
	[dreg:$0x0] =	wrdreg $0x0  }
0xae: {  	s7 =	sshll.u32 s28, $0x1;
	[dreg:$0x2] =	wrdreg s5  }
0xaf: {  	[dreg:$0x3] =	wrdreg s7  }
0xb0: {  	[dreg:$0x4] =	wrdreg $0xC0  }
0xb1: {  	_ =	task [dreg:s9], $0x5FFFF  }
0xb2: {  	[dreg:$0x1] =	wrdreg $0xFFFFFFFF  }
0xb3: {  	[dreg:$0x0] =	wrdreg $0x60  }
0xb4: {  	[dreg:$0x2] =	wrdreg s15  }
0xb5: {  	[dreg:$0x3] =	wrdreg s24  }
0xb6: {  	[dreg:$0x4] =	wrdreg s17  }
0xb7: {  	[dreg:$0x5] =	wrdreg s16  }
0xb8: {  	[dreg:$0x6] =	wrdreg $0xC3800  }
0xb9: {  	[dreg:$0x7] =	wrdreg $0x9  }
0xba: {  	_ =	task.clear_ibuf [dreg:s9], $0x8FFFF;
	_ =	strace $0x90000046  }
0xbb: {  	s29 =	simm.s32 $0x9;
	_ =	strace $0x80000048  }
0xbc: {  	_ =	swait.ge [sflag:s29], $0x1  }
0xbd: {  	[sflag:s29] =	ssyncadd.s32 $0xFFFFFFFF  }
0xbe: {  	_ =	strace $0x90000048  }
0xbf: {  	_ =	sfence  }
0xc0: {  	s30 =	sld [smem:$0x0];
	_ =	sdelay $0x2  }
0xc1: {  	s31 =	sshll.u32 s1, $0xD;
	s1 =	sshrl.u32 s1, $0x2  }
0xc2: {  	s3 =	sand.u32 $0x4000, s31;
	s1 =	sadd.s32 s1, s30  }
0xc3: {  	s0 =	sor.u32 s3, s0;
	s1 =	sshll.u32 s1, $0x11  }
0xc4: {  	s0 =	sor.u32 s1, s0  }
0xc5: {  	s0 =	sadd.s32 $0x8F2B, s0  }
0xc6: {  	[sflag:s0] =	ssyncadd.remote.s32 $0x1  }
0xc7: {  	_ =	sfence.sel $0xFFFF  }
0xc8: {  	[dreg:$0x0] =	wrdreg $0xFFFFFFFF;
	(pc) =	sbr.abs _section_cstart, $3  }
0xc9: {  	[dreg:$0x1] =	wrdreg $0xFFFFFFFF  }
0xca: {  	_ =	task.clear_ibuf [dreg:s9], $0x2FFFF;
	_ =	strace $0x9FFFFFFF  }
0xcb: {  	(tm) =	ssettm $0x7FFFFFFF  }
tec
execute0_lowered:
.L_overlay_start_1:
0x0: {  	(tag) =	ssettag $0x1  }
0x1: {  	s0 =	rddreg [dreg:$0x0]  }
0x2: {  	s3 =	rddreg [dreg:$0x1]  }
0x3: {  	s1 =	rddreg [dreg:$0x2]  }
0x4: {  	s5 =	rddreg [dreg:$0x3]  }
0x5: {  	s2 =	rddreg [dreg:$0x4]  }
0x6: {  	s4 =	simm.s32 $0x0;
	s6 =	srdreg.scid;
	s17 =	stileid.u32  }
0x7: {  	s28 =	simm.s32 $0x8000;
	s29 =	simm.s32 $0xC100;
	s30 =	simm.s32 $0x80  }
0x8: {  	s31 =	simm.s32 $0xC180;
	s6 =	sand.u32 $0x1, s6;
	s15 =	sshll.u32 s17, $0xC  }
0x9: {  	[smem:$0x7FF] =	sst s4;
	s22 =	sadd.s32 s15, s2;
	s15 =	smul.u32 $0x190, s6  }
0xa: {  	_ =	strace $0x80000047;
	s8 =	sshll.u32 s6, $0x4;
	s19 =	smul.u32 $0xC3500, s6  }
0xb: {  	s8 =	sor.u32 s17, s8;
	[dreg:$0x7] =	wrdreg s22;
	s22 =	smul.u32 $0xC350, s17  }
0xc: {  	s7 =	sshll.u32 s17, $0x9;
	s9 =	sadd.s32 $0xA00, s3;
	s13 =	smul.u32 $0x19, s8  }
0xd: {  	s10 =	sadd.s32 s7, s3;
	s12 =	ssub.s32 $0x2, s6;
	s14 =	smul.u32 $0xC350, s8  }
0xe: {  	s7 =	sadd.s32 s1, s7;
	s21 =	sshrl.u32 s12, $0x1;
	s16 =	smul.u32 $0x190, s8  }
0xf: {  	[dreg:$0x8] =	wrdreg s7;
	s11 =	sshll.u32 s8, $0x6;
	s25 =	smul.u32 $0x61A80, s8  }
0x10: {  	s3 =	sadd.s32 s11, s3;
	s11 =	ssub.s32 s12, s21;
	s13 =	sadd.s32 $0x1, s13  }
0x11: {  	s24 =	sadd.s32 s0, s14;
	s26 =	sadd.s32 s9, s16;
	s7 =	sshrl.u32 s25, $0x3  }
0x12: {  	s14 =	sshll.u32 s6, $0xD;
	s16 =	smul.u32 $0x19, s17;
	[dreg:$0x9] =	wrdreg s24  }
0x13: {  	s3 =	sadd.s32 $0x3C00, s3;
	s21 =	smax.u32 s11, $0x1;
	[dreg:$0xa] =	wrdreg s26  }
0x14: {  	s23 =	smul.u32 $0x7D0, s13;
	s13 =	sshll.u32 s13, $0x4;
	[dreg:$0xf] =	wrdreg s3  }
0x15: {  	s7 =	sadd.s32 s5, s7;
	s10 =	sadd.s32 s14, s10;
	[dreg:$0x10] =	wrdreg s21  }
0x16: {  	s3 =	sadd.s32 s19, s5;
	s21 =	simm.s32 $0x3;
	s5 =	simm.s32 $0x8  }
0x17: {  	s8 =	sadd.s32 s9, s13;
	s7 =	sadd.s32 $0xBB80, s7;
	s18 =	sadd.s32 $0x4400, s10  }
0x18: {  	s20 =	sadd.s32 s16, s15;
	s24 =	sadd.s32 s22, s3;
	[dreg:$0xc] =	wrdreg s8  }
0x19: {  	s3 =	simm.s32 $0x4;
	s12 =	sadd.s32 s0, s23;
	[dreg:$0xd] =	wrdreg s7  }
0x1a: {  	[dreg:$0xe] =	wrdreg s18;
	s6 =	sshll.u32 s20, $0x4;
	s0 =	sadd.s32 s19, s0  }
0x1b: {  	[dreg:$0x6] =	wrdreg s24;
	s20 =	simm.s32 $0xA;
	s24 =	simm.s32 $0x1  }
0x1c: {  	s19 =	simm.s32 $0x7;
	s7 =	simm.s32 $0x9;
	s6 =	sadd.s32 s6, s9  }
0x1d: {  	s8 =	simm.s32 $0x0;
	[dreg:$0xb] =	wrdreg s12;
	s23 =	sadd.s32 $0x40, s6  }
0x1e: {  	s15 =	sadd.s32 s22, s0;
	s25 =	sadd.s32 $0x30, s6;
	[dreg:$0x11] =	wrdreg s23  }
0x1f: {  	s0 =	simm.s32 $0x2;
	s26 =	sadd.s32 $0x20, s6;
	[dreg:$0x12] =	wrdreg s25  }
0x20: {  	s22 =	simm.s32 $0x5;
	s6 =	simm.s32 $0x6;
	[dreg:$0x13] =	wrdreg s26  }
0x21: {  	v0 =	vimm.f32 $0.0e+00;
	v1 =	vimm.f32 $1.000000000e+00;
	s23 =	simm.s32 $0xC000;
	s25 =	simm.s32 $0x4000;
	s26 =	simm.s32 $0xC080  }
.LBB2_1:
0x22: {  	s9 =	simm.s32 $0x3E80  }
0x23: {  	[tilespmem:s9], [sflag:$0xA] =	stream.linear.gather [hbm4b:s1+s4], $0x180, $0x38;
	[tilespmem:$0xD380] =	vst v63  }
0x24: {  	_ =	swait.ge [sflag:s20], $0x180  }
0x25: {  	[sflag:s20] =	ssyncset.done $0x0  }
0x26: {  	s11 =	simm.s32 $0x7E80;
	[sflag:s20] =	ssyncadd.s32 $0xFFFFFE80  }
0x27: {  	[tilespmem:s11], [sflag:$0xA] =	stream.linear.gather [hbm4b:s1+s4], $0x180, $0x38;
	[tilespmem:$0xD380] =	vst v63  }
0x28: {  	_ =	swait.ge [sflag:s20], $0x180  }
0x29: {  	[sflag:s20] =	ssyncset.done $0x0  }
0x2a: {  	s12 =	simm.s32 $0xBE80;
	s13 =	stileid.u32;
	[sflag:s20] =	ssyncadd.s32 $0xFFFFFE80  }
0x2b: {  	[tilespmem:s12], [sflag:$0xA] =	stream.linear.gather [hbm4b:s1+s4], $0x180, $0x38;
	[tilespmem:$0xD380] =	vst v63  }
0x2c: {  	s9 =	sshll.u32 s13, $0x6;
	_ =	swait.ge [sflag:s20], $0x180  }
0x2d: {  	s9 =	sor.u32 $0x1C0A, s9;
	[sflag:s20] =	ssyncset.done $0x0;
	s10 =	rddreg [dreg:$0x7]  }
0x2e: {  	s11 =	rddreg [dreg:$0x8];
	[sflag:s20] =	ssyncadd.s32 $0xFFFFFE80;
	s10 =	sshrl.u32 s10, $0x3  }
0x2f: {  	[spmem:s10], [sflag:s9] =	dma.local [hbm:s11], $0x200  }
0x30: {  	_ =	swait.ge [sflag:s20], $0x200  }
0x31: {  	[sflag:s20] =	ssyncset.done $0x0  }
0x32: {  	[sflag:s20] =	ssyncadd.s32 $0xFFFFFE00  }
0x33: {  	[tilespmem:$0xC180] =	vst v0  }
0x34: {  	[tilespmem:$0xC190] =	vst v0  }
0x35: {  	[tilespmem:$0xC1A0] =	vst v0  }
0x36: {  	[tilespmem:$0xC1B0] =	vst v0  }
0x37: {  	[tilespmem:$0xC1C0] =	vst v0  }
0x38: {  	[tilespmem:$0xC1D0] =	vst v0  }
0x39: {  	[tilespmem:$0xC1E0] =	vst v0  }
0x3a: {  	[tilespmem:$0xC1F0] =	vst v0  }
0x3b: {  	[tilespmem:$0xC200] =	vst v0  }
0x3c: {  	[tilespmem:$0xC210] =	vst v0  }
0x3d: {  	[tilespmem:$0xC220] =	vst v0  }
0x3e: {  	[tilespmem:$0xC230] =	vst v0  }
0x3f: {  	[tilespmem:$0xC240] =	vst v0  }
0x40: {  	[tilespmem:$0xC250] =	vst v0  }
0x41: {  	[tilespmem:$0xC260] =	vst v0  }
0x42: {  	[tilespmem:$0xC270] =	vst v0  }
0x43: {  	[tilespmem:$0xC280] =	vst v0  }
0x44: {  	[tilespmem:$0xC290] =	vst v0  }
0x45: {  	[tilespmem:$0xC2A0] =	vst v0  }
0x46: {  	[tilespmem:$0xC2B0] =	vst v0  }
0x47: {  	[tilespmem:$0xC2C0] =	vst v0  }
0x48: {  	[tilespmem:$0xC2D0] =	vst v0  }
0x49: {  	[tilespmem:$0xC2E0] =	vst v0  }
0x4a: {  	[tilespmem:$0xC2F0] =	vst v0  }
0x4b: {  	[tilespmem:$0xC300] =	vst v0  }
0x4c: {  	[tilespmem:$0xC310] =	vst v0  }
0x4d: {  	[tilespmem:$0xC320] =	vst v0  }
0x4e: {  	[tilespmem:$0xC330] =	vst v0  }
0x4f: {  	[tilespmem:$0xC340] =	vst v0  }
0x50: {  	[tilespmem:$0xC350] =	vst v0  }
0x51: {  	[tilespmem:$0xC360] =	vst v0  }
0x52: {  	[tilespmem:$0xC370] =	vst v0  }
0x53: {  	[bflag:$0x0] =	sbarrier.arrive $0xFFFF  }
0x54: {  	s14 =	rddreg [dreg:$0x9]  }
0x55: {  	[tilespmem:s4], [sflag:$0x1] =	stream.linear.gather [hbm4b:s14+s4], $0x3E80, $0x38;
	[tilespmem:$0xD380] =	vst v63  }
0x56: {  	s16 =	rddreg [dreg:$0xa]  }
0x57: {  	[tilespmem:s23], [sflag:$0x1] =	stream.linear.gather [hbm4b:s16+s4], $0x80, $0x38;
	[tilespmem:$0xD380] =	vst v63  }
0x58: {  	_ =	swait.ge [sflag:s24], $0x3E80  }
0x59: {  	[sflag:s24] =	ssyncset.done $0x0  }
0x5a: {  	[sflag:s24] =	ssyncadd.s32 $0xFFFFC180  }
0x5b: {  	_ =	swait.ge [sflag:s24], $0x80  }
0x5c: {  	s17 =	rddreg [dreg:$0xb]  }
0x5d: {  	[sflag:s24] =	ssyncset.done $0x0;
	s18 =	rddreg [dreg:$0xc]  }
0x5e: {  	s16 =	rddreg [dreg:$0x11];
	[sflag:s24] =	ssyncadd.s32 $0xFFFFFF80  }
0x5f: {  	[tilespmem:s25], [sflag:$0x2] =	stream.linear.gather [hbm4b:s17+s4], $0x3E80, $0x38;
	[tilespmem:$0xD380] =	vst v63  }
0x60: {  	s17 =	rddreg [dreg:$0x12]  }
0x61: {  	[tilespmem:s26], [sflag:$0x2] =	stream.linear.gather [hbm4b:s18+s4], $0x80, $0x38;
	[tilespmem:$0xD380] =	vst v63  }
0x62: {  	s14 =	simm.s32 $0x0;
	s18 =	rddreg [dreg:$0x13]  }
.LBB2_2:
0x63: {  	s13 =	sadd.s32 s14, s15  }
0x64: {  	s12 =	sadd.s32 $0xFA0, s13  }
0x65: {  	[tilespmem:s28], [sflag:$0x3] =	stream.linear.gather [hbm4b:s12+s4], $0x3E80, $0x38;
	[tilespmem:$0xD380] =	vst v63  }
0x66: {  	_ = 	snop  }
0x67: {  	[tilespmem:s29], [sflag:$0x3] =	stream.linear.gather [hbm4b:s18+s4], $0x80, $0x38;
	[tilespmem:$0xD380] =	vst v63  }
0x68: {  	s11 =	rddreg [dreg:$0x6]  }
0x69: {  	[spmem:s2] =	stream.indirect.scatter.add.f32 [tilespmem:s4], [sflag:$0x4], $0x80, s23, s30, $0xb8;
	[tilespmem:$0xD380] =	vst v63  }
0x6a: {  	s12 =	sadd.s32 s14, s11  }
0x6b: {  	[hbm4b:s12+s4] =	stream.linear.scatter [tilespmem:s4], [sflag:$0x7], $0x3E80, $0x38;
	[tilespmem:$0xD380] =	vst v63  }
0x6c: {  	v2 =	vld [tilespmem:$0xC000];
	_ =	sdelay $0x7  }
0x6d: {  	[tilespmem:v2+s31+$0x0] =	vst.idx.add.f32.msk $0xffff, v1  }
0x6e: {  	v2 =	vld [tilespmem:$0xC010];
	_ =	sdelay $0x7  }
0x6f: {  	[tilespmem:v2+s31+$0x0] =	vst.idx.add.f32.msk $0xffff, v1  }
0x70: {  	v2 =	vld [tilespmem:$0xC020];
	_ =	sdelay $0x7  }
0x71: {  	[tilespmem:v2+s31+$0x0] =	vst.idx.add.f32.msk $0xffff, v1  }
0x72: {  	v2 =	vld [tilespmem:$0xC030];
	_ =	sdelay $0x7  }
0x73: {  	[tilespmem:v2+s31+$0x0] =	vst.idx.add.f32.msk $0xffff, v1  }
0x74: {  	v2 =	vld [tilespmem:$0xC040];
	_ =	sdelay $0x7  }
0x75: {  	[tilespmem:v2+s31+$0x0] =	vst.idx.add.f32.msk $0xffff, v1  }
0x76: {  	v2 =	vld [tilespmem:$0xC050];
	_ =	sdelay $0x7  }
0x77: {  	[tilespmem:v2+s31+$0x0] =	vst.idx.add.f32.msk $0xffff, v1  }
0x78: {  	v2 =	vld [tilespmem:$0xC060];
	_ =	sdelay $0x7  }
0x79: {  	[tilespmem:v2+s31+$0x0] =	vst.idx.add.f32.msk $0xffff, v1  }
0x7a: {  	v2 =	vld [tilespmem:$0xC070];
	_ =	sdelay $0x7  }
0x7b: {  	[tilespmem:v2+s31+$0x0] =	vst.idx.add.f32.msk $0x1fff, v1  }
0x7c: {  	_ =	swait.ge [sflag:s0], $0x3E80  }
0x7d: {  	[sflag:s0] =	ssyncset.done $0x0  }
0x7e: {  	[sflag:s0] =	ssyncadd.s32 $0xFFFFC180  }
0x7f: {  	_ =	swait.ge [sflag:s0], $0x80  }
0x80: {  	[sflag:s0] =	ssyncset.done $0x0  }
0x81: {  	[sflag:s0] =	ssyncadd.s32 $0xFFFFFF80  }
0x82: {  	[spmem:s2] =	stream.indirect.scatter.add.f32 [tilespmem:s25], [sflag:$0x5], $0x80, s26, s30, $0xb8;
	[tilespmem:$0xD380] =	vst v63  }
0x83: {  	s11 =	sadd.s32 $0x7D0, s12  }
0x84: {  	[hbm4b:s11+s4] =	stream.linear.scatter [tilespmem:s25], [sflag:$0x8], $0x3E80, $0x38;
	[tilespmem:$0xD380] =	vst v63  }
0x85: {  	v2 =	vld [tilespmem:$0xC080];
	_ =	sdelay $0x7  }
0x86: {  	[tilespmem:v2+s31+$0x0] =	vst.idx.add.f32.msk $0xffff, v1  }
0x87: {  	v2 =	vld [tilespmem:$0xC090];
	_ =	sdelay $0x7  }
0x88: {  	[tilespmem:v2+s31+$0x0] =	vst.idx.add.f32.msk $0xffff, v1  }
0x89: {  	v2 =	vld [tilespmem:$0xC0A0];
	_ =	sdelay $0x7  }
0x8a: {  	[tilespmem:v2+s31+$0x0] =	vst.idx.add.f32.msk $0xffff, v1  }
0x8b: {  	v2 =	vld [tilespmem:$0xC0B0];
	_ =	sdelay $0x7  }
0x8c: {  	[tilespmem:v2+s31+$0x0] =	vst.idx.add.f32.msk $0xffff, v1  }
0x8d: {  	v2 =	vld [tilespmem:$0xC0C0];
	_ =	sdelay $0x7  }
0x8e: {  	[tilespmem:v2+s31+$0x0] =	vst.idx.add.f32.msk $0xffff, v1  }
0x8f: {  	v2 =	vld [tilespmem:$0xC0D0];
	_ =	sdelay $0x7  }
0x90: {  	[tilespmem:v2+s31+$0x0] =	vst.idx.add.f32.msk $0xffff, v1  }
0x91: {  	v2 =	vld [tilespmem:$0xC0E0];
	_ =	sdelay $0x7  }
0x92: {  	[tilespmem:v2+s31+$0x0] =	vst.idx.add.f32.msk $0xffff, v1  }
0x93: {  	v2 =	vld [tilespmem:$0xC0F0];
	_ =	sdelay $0x7  }
0x94: {  	[tilespmem:v2+s31+$0x0] =	vst.idx.add.f32.msk $0x1fff, v1  }
0x95: {  	_ =	swait.ge [sflag:s3], $0x4000  }
0x96: {  	[sflag:s3] =	ssyncset.done $0x0  }
0x97: {  	[sflag:s3] =	ssyncadd.s32 $0xFFFFC000  }
0x98: {  	_ =	swait.ge [sflag:s19], $0x3E80  }
0x99: {  	[sflag:s19] =	ssyncset.done $0x0  }
0x9a: {  	s13 =	sadd.s32 $0x1770, s13;
	[sflag:s19] =	ssyncadd.s32 $0xFFFFC180  }
0x9b: {  	[tilespmem:s4], [sflag:$0x1] =	stream.linear.gather [hbm4b:s13+s4], $0x3E80, $0x38;
	[tilespmem:$0xD380] =	vst v63  }
0x9c: {  	_ = 	snop  }
0x9d: {  	[tilespmem:s23], [sflag:$0x1] =	stream.linear.gather [hbm4b:s17+s4], $0x80, $0x38;
	[tilespmem:$0xD380] =	vst v63  }
0x9e: {  	_ =	swait.ge [sflag:s21], $0x3E80  }
0x9f: {  	[sflag:s21] =	ssyncset.done $0x0  }
0xa0: {  	[sflag:s21] =	ssyncadd.s32 $0xFFFFC180  }
0xa1: {  	_ =	swait.ge [sflag:s21], $0x80  }
0xa2: {  	[sflag:s21] =	ssyncset.done $0x0  }
0xa3: {  	[sflag:s21] =	ssyncadd.s32 $0xFFFFFF80  }
0xa4: {  	[spmem:s2] =	stream.indirect.scatter.add.f32 [tilespmem:s28], [sflag:$0x6], $0x80, s29, s30, $0xb8;
	[tilespmem:$0xD380] =	vst v63  }
0xa5: {  	s13 =	sadd.s32 $0xFA0, s12  }
0xa6: {  	[hbm4b:s13+s4] =	stream.linear.scatter [tilespmem:s28], [sflag:$0x9], $0x3E80, $0x38;
	[tilespmem:$0xD380] =	vst v63  }
0xa7: {  	v2 =	vld [tilespmem:$0xC100];
	_ =	sdelay $0x7  }
0xa8: {  	[tilespmem:v2+s31+$0x0] =	vst.idx.add.f32.msk $0xffff, v1  }
0xa9: {  	v2 =	vld [tilespmem:$0xC110];
	_ =	sdelay $0x7  }
0xaa: {  	[tilespmem:v2+s31+$0x0] =	vst.idx.add.f32.msk $0xffff, v1  }
0xab: {  	v2 =	vld [tilespmem:$0xC120];
	_ =	sdelay $0x7  }
0xac: {  	[tilespmem:v2+s31+$0x0] =	vst.idx.add.f32.msk $0xffff, v1  }
0xad: {  	v2 =	vld [tilespmem:$0xC130];
	_ =	sdelay $0x7  }
0xae: {  	[tilespmem:v2+s31+$0x0] =	vst.idx.add.f32.msk $0xffff, v1  }
0xaf: {  	v2 =	vld [tilespmem:$0xC140];
	_ =	sdelay $0x7  }
0xb0: {  	[tilespmem:v2+s31+$0x0] =	vst.idx.add.f32.msk $0xffff, v1  }
0xb1: {  	v2 =	vld [tilespmem:$0xC150];
	_ =	sdelay $0x7  }
0xb2: {  	[tilespmem:v2+s31+$0x0] =	vst.idx.add.f32.msk $0xffff, v1  }
0xb3: {  	v2 =	vld [tilespmem:$0xC160];
	_ =	sdelay $0x7  }
0xb4: {  	[tilespmem:v2+s31+$0x0] =	vst.idx.add.f32.msk $0xffff, v1  }
0xb5: {  	v2 =	vld [tilespmem:$0xC170];
	_ =	sdelay $0x7  }
0xb6: {  	[tilespmem:v2+s31+$0x0] =	vst.idx.add.f32.msk $0x1fff, v1  }
0xb7: {  	_ =	swait.ge [sflag:s22], $0x4000  }
0xb8: {  	[sflag:s22] =	ssyncset.done $0x0  }
0xb9: {  	p0 =	seq.s32 s14, $0xA410;
	[sflag:s22] =	ssyncadd.s32 $0xFFFFC000  }
0xba: {  	s11 =	sadd.s32 @!p0 s14, s15;
	_ =	swait.ge [sflag:s5], $0x3E80  }
0xbb: {  	s11 =	sadd.s32 @!p0 $0x1F40, s11;
	[sflag:s5] =	ssyncset.done $0x0  }
0xbc: {  	s12 =	simm.s32 @!p0 $0x0;
	s13 =	simm.s32 @!p0 $0x4000;
	[sflag:s5] =	ssyncadd.s32 $0xFFFFC180  }
0xbd: {  	[tilespmem:s13], [sflag:$0x2] =	stream.linear.gather @!p0 [hbm4b:s11+s12], $0x3E80, $0x38;
	[tilespmem:$0xD380] =	vst v63  }
0xbe: {  	s11 =	simm.s32 @!p0 $0xC080  }
0xbf: {  	[tilespmem:s11], [sflag:$0x2] =	stream.linear.gather @!p0 [hbm4b:s16+s12], $0x80, $0x38;
	[tilespmem:$0xD380] =	vst v63  }
0xc0: {  	_ =	swait.ge [sflag:s6], $0x4000  }
0xc1: {  	[sflag:s6] =	ssyncset.done $0x0  }
0xc2: {  	[sflag:s6] =	ssyncadd.s32 $0xFFFFC000  }
0xc3: {  	_ =	swait.ge [sflag:s7], $0x3E80  }
0xc4: {  	[sflag:s7] =	ssyncset.done $0x0  }
0xc5: {  	s14 =	sadd.s32 $0x1770, s14;
	[sflag:s7] =	ssyncadd.s32 $0xFFFFC180  }
0xc6: {  	p0 =	sne.s32 s14, $0xBB80;
	_ =	swait.ge [sflag:s24], $0x3E80  }
.Ltmp0:
0xc7: {  	[sflag:s24] =	ssyncset.done $0x0;
	(pc) =	sbr.rel @p0 .LBB2_2-.Ltmp0, $4  }
0xc8: {  	[sflag:s24] =	ssyncadd.s32 $0xFFFFC180  }
0xc9: {  	_ =	swait.ge [sflag:s24], $0x80  }
0xca: {  	s18 =	sadd.s32 $0x30, s18;
	[sflag:s24] =	ssyncset.done $0x0  }
0xcb: {  	s17 =	sadd.s32 $0x30, s17;
	s16 =	sadd.s32 $0x30, s16;
	[sflag:s24] =	ssyncadd.s32 $0xFFFFFF80  }
0xcc: {  	[spmem:s2] =	stream.indirect.scatter.add.f32 [tilespmem:s4], [sflag:$0x4], $0x80, s23, s30, $0xb8;
	[tilespmem:$0xD380] =	vst v63  }
0xcd: {  	s11 =	rddreg [dreg:$0xd]  }
0xce: {  	[hbm4b:s11+s4] =	stream.linear.scatter [tilespmem:s4], [sflag:$0x7], $0x3E80, $0x38;
	[tilespmem:$0xD380] =	vst v63  }
0xcf: {  	v2 =	vld [tilespmem:$0xC000];
	_ =	sdelay $0x7  }
0xd0: {  	[tilespmem:v2+s31+$0x0] =	vst.idx.add.f32.msk $0xffff, v1  }
0xd1: {  	v2 =	vld [tilespmem:$0xC010];
	_ =	sdelay $0x7  }
0xd2: {  	[tilespmem:v2+s31+$0x0] =	vst.idx.add.f32.msk $0xffff, v1  }
0xd3: {  	v2 =	vld [tilespmem:$0xC020];
	_ =	sdelay $0x7  }
0xd4: {  	[tilespmem:v2+s31+$0x0] =	vst.idx.add.f32.msk $0xffff, v1  }
0xd5: {  	v2 =	vld [tilespmem:$0xC030];
	_ =	sdelay $0x7  }
0xd6: {  	[tilespmem:v2+s31+$0x0] =	vst.idx.add.f32.msk $0xffff, v1  }
0xd7: {  	v2 =	vld [tilespmem:$0xC040];
	_ =	sdelay $0x7  }
0xd8: {  	[tilespmem:v2+s31+$0x0] =	vst.idx.add.f32.msk $0xffff, v1  }
0xd9: {  	v2 =	vld [tilespmem:$0xC050];
	_ =	sdelay $0x7  }
0xda: {  	[tilespmem:v2+s31+$0x0] =	vst.idx.add.f32.msk $0xffff, v1  }
0xdb: {  	v2 =	vld [tilespmem:$0xC060];
	_ =	sdelay $0x7  }
0xdc: {  	[tilespmem:v2+s31+$0x0] =	vst.idx.add.f32.msk $0xffff, v1  }
0xdd: {  	v2 =	vld [tilespmem:$0xC070];
	_ =	sdelay $0x7  }
0xde: {  	[tilespmem:v2+s31+$0x0] =	vst.idx.add.f32.msk $0x1fff, v1  }
0xdf: {  	_ =	swait.ge [sflag:s3], $0x4000  }
0xe0: {  	[sflag:s3] =	ssyncset.done $0x0  }
0xe1: {  	[sflag:s3] =	ssyncadd.s32 $0xFFFFC000  }
0xe2: {  	_ =	swait.ge [sflag:s19], $0x3E80  }
0xe3: {  	[sflag:s19] =	ssyncset.done $0x0  }
0xe4: {  	[sflag:s19] =	ssyncadd.s32 $0xFFFFC180  }
0xe5: {  	[bflag:$0x0] =	sbarrier.arrive $0xFFFF  }
0xe6: {  	s16 =	rddreg [dreg:$0xe]  }
0xe7: {  	[hbm:s16], [sflag:s9] =	dma.local [spmem:s10], $0x200  }
0xe8: {  	_ =	swait.ge [sflag:s20], $0x200  }
0xe9: {  	[sflag:s20] =	ssyncset.done $0x0  }
0xea: {  	s17 =	rddreg [dreg:$0xf];
	[sflag:s20] =	ssyncadd.s32 $0xFFFFFE00  }
0xeb: {  	[hbm4b:s17+s4] =	stream.linear.scatter [tilespmem:s31], [sflag:$0xA], $0x200, $0x38;
	[tilespmem:$0xD380] =	vst v63  }
0xec: {  	_ =	swait.ge [sflag:s20], $0x200  }
0xed: {  	s8 =	sadd.s32 $0x1, s8;
	s18 =	rddreg [dreg:$0x10]  }
0xee: {  	p0 =	sne.s32 s8, s18  }
.Ltmp1:
0xef: {  	_ = 	snop;
	(pc) =	sbr.rel @p0 .LBB2_1-.Ltmp1, $3  }
0xf0: {  	_ =	sdelay $0x1  }
0xf1: {  	[sflag:s20] =	ssyncset.done $0x0  }
0xf2: {  	[sflag:s20] =	ssyncadd.s32 $0xFFFFFE00  }
0xf3: {  	_ =	sfence.sel $0x180000  }
0xf4: {  	[bflag:$0x0] =	sbarrier.arrive $0xFFFF  }
0xf5: {  	_ =	strace $0x90000047  }
0xf6: {  	s0 =	stileid.u32;
	[bflag:$0x2] =	sbarrier.arrive $0xFFFF  }
0xf7: {  	p0 =	sne.s32 s0, $0x0;
	s0 =	rddreg [dreg:$0x5]  }
0xf8: {  	s0 =	sadd.s32 @!p0 $0x100000, s0  }
0xf9: {  	[sflag:s0] =	ssyncadd.tile.s32 @!p0 $0x1;
	_ =	shalt  }
.Lfunc_end2:
_tile_overlayer_lowered:
.L_overlay_start_2:
0xfa: {  	(tag) =	ssettag $0x2  }
0xfb: {  	s0 =	rddreg [dreg:$0x0];
	s2 =	stileid.u32  }
0xfc: {  	s1 =	rddreg [dreg:$0x1];
	p0 =	sne.s32 s2, $0x0  }
0xfd: {  	s3 =	rddreg [dreg:$0x2];
	[bflag:$0x3] =	sbarrier.arrive $0xFFFF;
	s2 =	simm.s32 @!p0 $0x1C0A  }
0xfe: {  	[timem:s3], [sflag:s2] =	dma.local @!p0 [hbm:s0], s1  }
0xff: {  	s0 =	simm.s32 @!p0 $0xA  }
0x100: {  	_ =	swait.ge @!p0 [sflag:s0], s1  }
0x101: {  	s1 =	ssub.s32 @!p0 $0x0, s1;
	[sflag:s0] =	ssyncset.done @!p0 $0x0  }
0x102: {  	[sflag:s0] =	ssyncadd.s32 @!p0 s1  }
0x103: {  	[bflag:$0x3] =	sbarrier.arrive $0xFFFF  }
0x104: {  	_ =	shalt  }

</sc_bundles>
